<compile_context>
chip_gen: v7x
topology: tpu7x:2x2x1
jax: 0.10.2.dev20260603
libtpu: 0.0.44.dev20260713+nightly
codegen_flags: <defaults>
</compile_context>

<pallas_src>
import functools

import jax
import jax.numpy as jnp
from jax import lax
from jax.experimental import pallas as pl
from jax.experimental.pallas import tpu as pltpu
from jax.experimental.pallas import tpu_sc as plsc


def _coeffs(s_ref, ss_ref, g_ref, be_ref, n):
    mean = s_ref[:] * (1.0 / n)
    var = ss_ref[:] * (1.0 / n) - mean * mean
    scale = g_ref[:] / jnp.sqrt(var + 1e-5)
    shift = be_ref[:] - mean * scale
    return scale, shift



def _interp_body(bq_ref, q_ref, bs_ref, pt_ref, x_ref, *rest, k, n_src,
                 affine, n_prev):
    if affine:
        s_ref, ss_ref, g_ref, be_ref, o_ref = rest
    else:
        (o_ref,) = rest
    q = q_ref[:]
    q0, q1, q2 = q[:, 0:1], q[:, 1:2], q[:, 2:3]
    p0 = pt_ref[0:1, :]
    p1 = pt_ref[1:2, :]
    p2 = pt_ref[2:3, :]
    qn = q0 * q0 + q1 * q1 + q2 * q2
    pn = p0 * p0 + p1 * p1 + p2 * p2
    cross = jnp.dot(q.astype(jnp.bfloat16), pt_ref[:].astype(jnp.bfloat16),
                    preferred_element_type=jnp.float32)
    d2 = (qn - 2.0 * cross) + pn
    bmask = bq_ref[:] != bs_ref[:]
    d2 = jnp.where(bmask, 1e10, d2)

    iota = jax.lax.broadcasted_iota(jnp.int32, d2.shape, 1)
    S = None
    wsum = None
    for j in range(k):
        m = jnp.min(d2, axis=1, keepdims=True)
        am = jnp.min(jnp.where(d2 == m, iota, n_src), axis=1, keepdims=True)
        sel = iota == am
        if k == 1:
            S = sel.astype(jnp.float32)
        else:
            w = 1.0 / jnp.clip(m, 1e-16, None)
            contrib = jnp.where(sel, w, 0.0)
            S = contrib if S is None else S + contrib
            wsum = w if wsum is None else wsum + w
            if j + 1 < k:
                d2 = jnp.where(sel, 1e30, d2)

    out = jnp.dot(S, x_ref[:], preferred_element_type=jnp.float32)
    if k > 1:
        out = out / wsum
    if affine:
        scale, shift = _coeffs(s_ref, ss_ref, g_ref, be_ref, n_prev)
        out = out * scale + shift
    o_ref[:] = out.astype(o_ref.dtype)


def _interp(x, pos_src_t, pos_q, bs_row, bq_col, k, stats=None, n_prev=None,
            bq=256):
    n_src = pos_src_t.shape[1]
    n_q = pos_q.shape[0]
    c = x.shape[1]
    bq = min(bq, n_q)
    grid = (n_q // bq,)
    in_specs = [
        pl.BlockSpec((bq, 1), lambda i: (i, 0)),
        pl.BlockSpec((bq, 3), lambda i: (i, 0)),
        pl.BlockSpec((1, n_src), lambda i: (0, 0)),
        pl.BlockSpec((3, n_src), lambda i: (0, 0)),
        pl.BlockSpec((n_src, c), lambda i: (0, 0)),
    ]
    args = [bq_col, pos_q, bs_row, pos_src_t, x]
    if stats is not None:
        cs = pl.BlockSpec((1, c), lambda i: (0, 0))
        in_specs += [cs, cs, cs, cs]
        s, ss, g, be = stats
        args += [s, ss, g.reshape(1, c), be.reshape(1, c)]
    return pl.pallas_call(
        functools.partial(_interp_body, k=k, n_src=n_src,
                          affine=stats is not None,
                          n_prev=float(n_prev) if n_prev else 1.0),
        grid=grid,
        in_specs=in_specs,
        out_specs=pl.BlockSpec((bq, c), lambda i: (i, 0)),
        out_shape=jax.ShapeDtypeStruct((n_q, c), jnp.bfloat16),
    )(*args)



def _topk_body(bq_ref, q_ref, bs_ref, pt_ref, idx_ref, wn_ref, *, n_src):
    q = q_ref[:]
    q0, q1, q2 = q[:, 0:1], q[:, 1:2], q[:, 2:3]
    p0 = pt_ref[0:1, :]
    p1 = pt_ref[1:2, :]
    p2 = pt_ref[2:3, :]
    qn = q0 * q0 + q1 * q1 + q2 * q2
    pn = p0 * p0 + p1 * p1 + p2 * p2
    cross = jnp.dot(q.astype(jnp.bfloat16), pt_ref[:].astype(jnp.bfloat16),
                    preferred_element_type=jnp.float32)
    d2 = (qn - 2.0 * cross) + pn
    d2 = jnp.where(bq_ref[:] != bs_ref[:], 1e10, d2)

    iota = jax.lax.broadcasted_iota(jnp.int32, d2.shape, 1)
    ams, ws = [], []
    wsum = None
    for j in range(3):
        m = jnp.min(d2, axis=1, keepdims=True)
        am = jnp.min(jnp.where(d2 == m, iota, n_src), axis=1, keepdims=True)
        w = 1.0 / jnp.clip(m, 1e-16, None)
        ams.append(am)
        ws.append(w)
        wsum = w if wsum is None else wsum + w
        if j < 2:
            d2 = jnp.where(iota == am, 1e30, d2)
    idx_ref[:] = jnp.concatenate(ams, axis=1)
    wn_ref[:] = jnp.concatenate(ws, axis=1) / wsum


def _topk(pos_src_t, pos_q, bs_row, bq_col, bq=256):
    n_src = pos_src_t.shape[1]
    n_q = pos_q.shape[0]
    grid = (n_q // bq,)
    return pl.pallas_call(
        functools.partial(_topk_body, n_src=n_src),
        grid=grid,
        in_specs=[
            pl.BlockSpec((bq, 1), lambda i: (i, 0)),
            pl.BlockSpec((bq, 3), lambda i: (i, 0)),
            pl.BlockSpec((1, n_src), lambda i: (0, 0)),
            pl.BlockSpec((3, n_src), lambda i: (0, 0)),
        ],
        out_specs=[pl.BlockSpec((bq, 3), lambda i: (i, 0)),
                   pl.BlockSpec((bq, 3), lambda i: (i, 0))],
        out_shape=[jax.ShapeDtypeStruct((n_q, 3), jnp.int32),
                   jax.ShapeDtypeStruct((n_q, 3), jnp.float32)],
    )(bq_col, pos_q, bs_row, pos_src_t)



_SC_NW = 32
_SC_CHQ = 16


def _sc_gather_body(table_hbm, idx_hbm, wnt_hbm, out_hbm, idxv, wv0, wv1, wv2,
                    rows_v, out_v, sem, *, qpt):
    wid = lax.axis_index("s") * 2 + lax.axis_index("c")
    rbase = wid * (qpt * 3)
    qbase = wid * qpt
    nq_all = wnt_hbm.shape[0] // 3
    pltpu.sync_copy(idx_hbm.at[pl.ds(rbase, qpt * 3)], idxv)
    pltpu.sync_copy(wnt_hbm.at[pl.ds(qbase, qpt)], wv0)
    pltpu.sync_copy(wnt_hbm.at[pl.ds(nq_all + qbase, qpt)], wv1)
    pltpu.sync_copy(wnt_hbm.at[pl.ds(2 * nq_all + qbase, qpt)], wv2)

    def chunk(ch, _):
        pltpu.async_copy(
            table_hbm.at[idxv.at[pl.ds(ch * (_SC_CHQ * 3), _SC_CHQ * 3)]],
            rows_v, sem).wait()
        w0 = wv0[pl.ds(ch * _SC_CHQ, 16)]
        w1 = wv1[pl.ds(ch * _SC_CHQ, 16)]
        w2 = wv2[pl.ds(ch * _SC_CHQ, 16)]

        def query(q, _):
            qi = jnp.zeros((16,), jnp.int32) + q
            s0 = jnp.take(w0, qi)
            s1 = jnp.take(w1, qi)
            s2 = jnp.take(w2, qi)

            def col(c, _):
                sl = pl.ds(c * 16, 16)
                out_v[q, sl] = (rows_v[3 * q, sl] * s0
                                + rows_v[3 * q + 1, sl] * s1
                                + rows_v[3 * q + 2, sl] * s2)
                return 0

            lax.fori_loop(0, out_v.shape[1] // 16, col, 0, unroll=8)
            return 0

        lax.fori_loop(0, _SC_CHQ, query, 0)
        pltpu.sync_copy(out_v, out_hbm.at[pl.ds(qbase + ch * _SC_CHQ, _SC_CHQ)])
        return 0

    lax.fori_loop(0, qpt // _SC_CHQ, chunk, 0)


def _sc_gather(table, idx_flat, wnt_flat):
    n_q = idx_flat.shape[0] // 3
    c = table.shape[1]
    qpt = n_q // _SC_NW
    mesh = plsc.VectorSubcoreMesh(core_axis_name="c", subcore_axis_name="s")
    f = pl.kernel(
        functools.partial(_sc_gather_body, qpt=qpt),
        mesh=mesh,
        out_type=jax.ShapeDtypeStruct((n_q, c), jnp.float32),
        scratch_types=[
            pltpu.VMEM((qpt * 3,), jnp.int32),
            pltpu.VMEM((qpt,), jnp.float32),
            pltpu.VMEM((qpt,), jnp.float32),
            pltpu.VMEM((qpt,), jnp.float32),
            pltpu.VMEM((_SC_CHQ * 3, c), jnp.float32),
            pltpu.VMEM((_SC_CHQ, c), jnp.float32),
            pltpu.SemaphoreType.DMA,
        ],
    )
    return f(table, idx_flat, wnt_flat)



def _linear_body(x_ref, w_ref, b_ref, *rest, affine, skip, kx, n_prev):
    rest = list(rest)
    xs_ref = rest.pop(0) if skip else None
    if affine:
        s_ref, ss_ref, g_ref, be_ref = rest[:4]
        rest = rest[4:]
    h_ref, so_ref, sso_ref = rest
    x = x_ref[:]
    if affine:
        scale, shift = _coeffs(s_ref, ss_ref, g_ref, be_ref, n_prev)
        x = x * scale + shift
    w_head = w_ref[0:kx, :]
    if x.dtype == jnp.bfloat16:
        w_head = w_head.astype(jnp.bfloat16)
    h = jnp.dot(x, w_head, preferred_element_type=jnp.float32)
    if skip:
        h = h + jnp.dot(xs_ref[:], w_ref[kx:, :],
                        preferred_element_type=jnp.float32)
    h = h + b_ref[:]
    h = jnp.maximum(h, 0.0)
    h_ref[:] = h
    csum = jnp.sum(h, axis=0, keepdims=True)
    csq = jnp.sum(h * h, axis=0, keepdims=True)

    @pl.when(pl.program_id(0) == 0)
    def _init():
        so_ref[:] = csum
        sso_ref[:] = csq

    @pl.when(pl.program_id(0) > 0)
    def _acc():
        so_ref[:] += csum
        sso_ref[:] += csq


def _linear(x, w, b_row, skip=None, stats=None, n_prev=None, br=512):
    n, kx = x.shape
    fout = w.shape[1]
    br = min(br, n)
    grid = (n // br,)
    in_specs = [
        pl.BlockSpec((br, kx), lambda i: (i, 0)),
        pl.BlockSpec(w.shape, lambda i: (0, 0)),
        pl.BlockSpec((1, fout), lambda i: (0, 0)),
    ]
    args = [x, w, b_row]
    if skip is not None:
        ks = skip.shape[1]
        in_specs.append(pl.BlockSpec((br, ks), lambda i: (i, 0)))
        args.append(skip)
    if stats is not None:
        cs = pl.BlockSpec((1, kx), lambda i: (0, 0))
        in_specs += [cs, cs, cs, cs]
        s, ss, g, be = stats
        args += [s, ss, g.reshape(1, kx), be.reshape(1, kx)]
    return pl.pallas_call(
        functools.partial(_linear_body, affine=stats is not None,
                          skip=skip is not None, kx=kx,
                          n_prev=float(n_prev) if n_prev else 1.0),
        grid=grid,
        in_specs=in_specs,
        out_specs=[
            pl.BlockSpec((br, fout), lambda i: (i, 0)),
            pl.BlockSpec((1, fout), lambda i: (0, 0)),
            pl.BlockSpec((1, fout), lambda i: (0, 0)),
        ],
        out_shape=[
            jax.ShapeDtypeStruct((n, fout), jnp.float32),
            jax.ShapeDtypeStruct((1, fout), jnp.float32),
            jax.ShapeDtypeStruct((1, fout), jnp.float32),
        ],
    )(*args)



def _bn_apply_body(h_ref, s_ref, ss_ref, g_ref, be_ref, o_ref, *, n_prev):
    scale, shift = _coeffs(s_ref, ss_ref, g_ref, be_ref, n_prev)
    o_ref[:] = h_ref[:] * scale + shift


def _bn_apply(h, stats, n_prev, br=2048):
    n, f = h.shape
    s, ss, g, be = stats
    br = min(br, n)
    grid = (n // br,)
    cs = pl.BlockSpec((1, f), lambda i: (0, 0))
    return pl.pallas_call(
        functools.partial(_bn_apply_body, n_prev=float(n_prev)),
        grid=grid,
        in_specs=[pl.BlockSpec((br, f), lambda i: (i, 0)), cs, cs, cs, cs],
        out_specs=pl.BlockSpec((br, f), lambda i: (i, 0)),
        out_shape=jax.ShapeDtypeStruct((n, f), jnp.float32),
    )(h, s, ss, g.reshape(1, f), be.reshape(1, f))



def kernel(x0, x1, x2, x3, p0, p1, p2, p3, b0, b1, b2, b3,
           l3w1, l3b1, l3g1, l3be1, l3w2, l3b2, l3g2, l3be2,
           l2w1, l2b1, l2g1, l2be1, l2w2, l2b2, l2g2, l2be2,
           l1w1, l1b1, l1g1, l1be1, l1w2, l1b2, l1g2, l1be2):
    n0, n1, n2 = x0.shape[0], x1.shape[0], x2.shape[0]
    b0c = b0.reshape(-1, 1)
    b1c = b1.reshape(-1, 1)
    b2c = b2.reshape(-1, 1)
    b1r = b1.reshape(1, -1)
    b2r = b2.reshape(1, -1)
    b3r = b3.reshape(1, -1)

    h = _interp(x3, p3.T, p2, b3r, b2c, k=1)
    h, s, ss = _linear(h, l3w1, l3b1.reshape(1, -1), skip=x2)
    h, s, ss = _linear(h, l3w2, l3b2.reshape(1, -1),
                       stats=(s, ss, l3g1, l3be1), n_prev=n2)

    h = _interp(h, p2.T, p1, b2r, b1c, k=3,
                stats=(s, ss, l3g2, l3be2), n_prev=n2)
    h, s, ss = _linear(h, l2w1, l2b1.reshape(1, -1), skip=x1)
    h, s, ss = _linear(h, l2w2, l2b2.reshape(1, -1),
                       stats=(s, ss, l2g1, l2be1), n_prev=n1)

    idx, wn = _topk(p1.T, p0, b1r, b0c)
    h = _sc_gather(h, idx.reshape(-1), wn.T.reshape(-1))
    h, s, ss = _linear(h, l1w1, l1b1.reshape(1, -1), skip=x0,
                       stats=(s, ss, l2g2, l2be2), n_prev=n1)
    h, s, ss = _linear(h, l1w2, l1b2.reshape(1, -1),
                       stats=(s, ss, l1g1, l1be1), n_prev=n0)

    return _bn_apply(h, (s, ss, l1g2, l1be2), n0)

# --- scband reference (transcript-rebuilt; emitter-appended) ---
"""Pipeline reference for scband-fsctdecoder-py-g-13237089206894 (READ-ONLY COPY).

The authoritative reference and input builder live on the scoring server;
editing this copy changes nothing except your own understanding.
"""

import jax, jax.numpy as jnp
import numpy as np


def _bn(h, g, b):
    m = jnp.mean(h, axis=0)
    v = jnp.var(h, axis=0)
    return g * (h - m) / jnp.sqrt(v + 1e-5) + b


def _mlp2(x, w1, b1, g1, be1, w2, b2, g2, be2):
    h = _bn(jax.nn.relu(x @ w1 + b1), g1, be1)
    h = _bn(jax.nn.relu(h @ w2 + b2), g2, be2)
    return h


def _knn_interpolate(x, pos, pos_skip, batch, batch_skip, k):
    # x features live at coarse points `pos`; interpolate onto `pos_skip`
    d2 = (jnp.sum(pos_skip ** 2, axis=1, keepdims=True)
          - 2.0 * (pos_skip @ pos.T)
          + jnp.sum(pos ** 2, axis=1)[None, :])
    mask = batch_skip[:, None] != batch[None, :]
    d2 = jnp.where(mask, 1e10, d2)
    neg_d, idx = jax.lax.top_k(-d2, k)
    d2k = jnp.clip(-neg_d, 1e-16, None)
    w = jax.lax.stop_gradient(1.0 / d2k)  # weights computed under no_grad in torch
    idx = jax.lax.stop_gradient(idx)
    xg = x[idx]  # [Ns, k, C]
    return jnp.sum(xg * w[..., None], axis=1) / jnp.sum(w, axis=1, keepdims=True)


def _init_lin(k, fi, fo):
    k1, k2 = jax.random.split(k)
    w = jax.random.normal(k1, (fi, fo), jnp.float32) * (1.0 / np.sqrt(fi))
    b = jnp.zeros((fo,), jnp.float32)
    return w, b


def setup_inputs(seed: int = 0):
    key = jax.random.key(seed)
    ks = jax.random.split(key, 24)
    d = {}
    d['x0'] = jax.random.normal(ks[0], (16384, 64), jnp.float32)
    d['x1'] = jax.random.normal(ks[1], (4096, 512), jnp.float32)
    d['x2'] = jax.random.normal(ks[2], (1024, 1024), jnp.float32)
    d['x3'] = jax.random.normal(ks[3], (256, 2048), jnp.float32)
    d['p0'] = jax.random.uniform(ks[4], (16384, 3), jnp.float32) * 10.0
    d['p1'] = jax.random.uniform(ks[5], (4096, 3), jnp.float32) * 10.0
    d['p2'] = jax.random.uniform(ks[6], (1024, 3), jnp.float32) * 10.0
    d['p3'] = jax.random.uniform(ks[7], (256, 3), jnp.float32) * 10.0
    d['b0'] = jnp.sort(jax.random.randint(ks[8], (16384,), 0, 4))
    d['b1'] = jnp.sort(jax.random.randint(ks[9], (4096,), 0, 4))
    d['b2'] = jnp.sort(jax.random.randint(ks[10], (1024,), 0, 4))
    d['b3'] = jnp.sort(jax.random.randint(ks[11], (256,), 0, 4))
    # fp3 MLP: [3072 -> 1024 -> 1024]
    d['l3w1'], d['l3b1'] = _init_lin(ks[12], 3072, 1024)
    d['l3g1'] = jnp.ones((1024,), jnp.float32); d['l3be1'] = jnp.zeros((1024,), jnp.float32)
    d['l3w2'], d['l3b2'] = _init_lin(ks[13], 1024, 1024)
    d['l3g2'] = jnp.ones((1024,), jnp.float32); d['l3be2'] = jnp.zeros((1024,), jnp.float32)
    # fp2 MLP: [1536 -> 1024 -> 1024]
    d['l2w1'], d['l2b1'] = _init_lin(ks[14], 1536, 1024)
    d['l2g1'] = jnp.ones((1024,), jnp.float32); d['l2be1'] = jnp.zeros((1024,), jnp.float32)
    d['l2w2'], d['l2b2'] = _init_lin(ks[15], 1024, 1024)
    d['l2g2'] = jnp.ones((1024,), jnp.float32); d['l2be2'] = jnp.zeros((1024,), jnp.float32)
    # fp1 MLP: [1088 -> 1024 -> 1024]
    d['l1w1'], d['l1b1'] = _init_lin(ks[16], 1088, 1024)
    d['l1g1'] = jnp.ones((1024,), jnp.float32); d['l1be1'] = jnp.zeros((1024,), jnp.float32)
    d['l1w2'], d['l1b2'] = _init_lin(ks[17], 1024, 1024)
    d['l1g2'] = jnp.ones((1024,), jnp.float32); d['l1be2'] = jnp.zeros((1024,), jnp.float32)
    return d


def reference(x0, x1, x2, x3, p0, p1, p2, p3, b0, b1, b2, b3,
              l3w1, l3b1, l3g1, l3be1, l3w2, l3b2, l3g2, l3be2,
              l2w1, l2b1, l2g1, l2be1, l2w2, l2b2, l2g2, l2be2,
              l1w1, l1b1, l1g1, l1be1, l1w2, l1b2, l1g2, l1be2):
    # FP3: interpolate sa3 features onto sa2 points (k=1)
    h = _knn_interpolate(x3, p3, p2, b3, b2, 1)
    h = jnp.concatenate([h, x2], axis=1)
    h = _mlp2(h, l3w1, l3b1, l3g1, l3be1, l3w2, l3b2, l3g2, l3be2)
    # FP2: interpolate onto sa1 points (k=3)
    h = _knn_interpolate(h, p2, p1, b2, b1, 3)
    h = jnp.concatenate([h, x1], axis=1)
    h = _mlp2(h, l2w1, l2b1, l2g1, l2be1, l2w2, l2b2, l2g2, l2be2)
    # FP1: interpolate onto sa0 points (k=3)
    h = _knn_interpolate(h, p1, p0, b1, b0, 3)
    h = jnp.concatenate([h, x0], axis=1)
    h = _mlp2(h, l1w1, l1b1, l1g1, l1be1, l1w2, l1b2, l1g2, l1be2)
    return h

if __name__ == "__main__":
    import jax
    _d = setup_inputs()
    print(jax.jit(kernel)(*tuple(_d.values())))

</pallas_src>

<mosaic_0001>
#map = affine_map<(d0, d1) -> (0, 0)>
#map1 = affine_map<(d0, d1) -> (0)>
module attributes {stable_mosaic.version = 14 : i64} {
  func.func @_sc_gather_body(%arg0: i32, %arg1: i32, %arg2: memref<4096x1024xf32, #tpu.memory_space<hbm>>, %arg3: memref<49152xi32, #tpu.memory_space<hbm>>, %arg4: memref<49152xf32, #tpu.memory_space<hbm>>, %arg5: memref<16384x1024xf32, #tpu.memory_space<hbm>>, %arg6: memref<1536xi32, #tpu.memory_space<vmem>>, %arg7: memref<512xf32, #tpu.memory_space<vmem>>, %arg8: memref<512xf32, #tpu.memory_space<vmem>>, %arg9: memref<512xf32, #tpu.memory_space<vmem>>, %arg10: memref<48x1024xf32, #tpu.memory_space<vmem>>, %arg11: memref<16x1024xf32, #tpu.memory_space<vmem>>, %arg12: memref<!tpu.dma_semaphore, #tpu.memory_space<semaphore_mem>>) attributes {dimension_semantics = [#tpu.dimension_semantics<core_parallel>, #tpu.dimension_semantics<subcore_parallel>], iteration_bounds = array<i64: 2, 16>, scalar_prefetch = 0 : i64, scratch_operands = 7 : i64, tpu.core_type = #tpu.core_type<sc_vector_subcore>, window_params = [{transform_indices = #map}, {transform_indices = #map1}, {transform_indices = #map1}, {transform_indices = #map}]} {
    %mul3A = arith.constant 2 : i32
    %mul3A_0 = arith.muli %arg1, %mul3A : i32
    %add3A = arith.addi %mul3A_0, %arg0 : i32
    %mul3A_1 = arith.constant 1536 : i32
    %mul3A_2 = arith.muli %add3A, %mul3A_1 : i32
    %mul3A_3 = arith.constant 512 : i32
    %mul3A_4 = arith.muli %add3A, %mul3A_3 : i32
    "tpu.region"() ({
      %run_scoped3A = tpu.sem_alloc : memref<!tpu.dma_semaphore, #tpu.memory_space<semaphore_mem>>
      %dma_start3A = tpu.memref_slice %arg3[%mul3A_2] : memref<49152xi32, #tpu.memory_space<hbm>> -> memref<1536xi32, #tpu.memory_space<hbm>>
      %dma_start3A_15 = tpu.memref_slice %arg3[%mul3A_2] : memref<49152xi32, #tpu.memory_space<hbm>> -> memref<1536xi32, #tpu.memory_space<hbm>>
      tpu.enqueue_dma source(%dma_start3A_15 : memref<1536xi32, #tpu.memory_space<hbm>>) target(%arg6 : memref<1536xi32, #tpu.memory_space<vmem>>) target_semaphore(%run_scoped3A : memref<!tpu.dma_semaphore, #tpu.memory_space<semaphore_mem>>)
      %dma_wait3A = tpu.memref_slice %arg3[%mul3A_2] : memref<49152xi32, #tpu.memory_space<hbm>> -> memref<1536xi32, #tpu.memory_space<hbm>>
      %dma_wait3A_16 = tpu.memref_slice %arg3[%mul3A_2] : memref<49152xi32, #tpu.memory_space<hbm>> -> memref<1536xi32, #tpu.memory_space<hbm>>
      tpu.wait_dma2 semaphore(%run_scoped3A : memref<!tpu.dma_semaphore, #tpu.memory_space<semaphore_mem>>) src(%dma_wait3A_16 : memref<1536xi32, #tpu.memory_space<hbm>>) dst(%arg6 : memref<1536xi32, #tpu.memory_space<vmem>>)
      tpu.yield
    }) : () -> ()
    "tpu.region"() ({
      %run_scoped3A = tpu.sem_alloc : memref<!tpu.dma_semaphore, #tpu.memory_space<semaphore_mem>>
      %dma_start3A = tpu.memref_slice %arg4[%mul3A_4] : memref<49152xf32, #tpu.memory_space<hbm>> -> memref<512xf32, #tpu.memory_space<hbm>>
      %dma_start3A_15 = tpu.memref_slice %arg4[%mul3A_4] : memref<49152xf32, #tpu.memory_space<hbm>> -> memref<512xf32, #tpu.memory_space<hbm>>
      tpu.enqueue_dma source(%dma_start3A_15 : memref<512xf32, #tpu.memory_space<hbm>>) target(%arg7 : memref<512xf32, #tpu.memory_space<vmem>>) target_semaphore(%run_scoped3A : memref<!tpu.dma_semaphore, #tpu.memory_space<semaphore_mem>>)
      %dma_wait3A = tpu.memref_slice %arg4[%mul3A_4] : memref<49152xf32, #tpu.memory_space<hbm>> -> memref<512xf32, #tpu.memory_space<hbm>>
      %dma_wait3A_16 = tpu.memref_slice %arg4[%mul3A_4] : memref<49152xf32, #tpu.memory_space<hbm>> -> memref<512xf32, #tpu.memory_space<hbm>>
      tpu.wait_dma2 semaphore(%run_scoped3A : memref<!tpu.dma_semaphore, #tpu.memory_space<semaphore_mem>>) src(%dma_wait3A_16 : memref<512xf32, #tpu.memory_space<hbm>>) dst(%arg7 : memref<512xf32, #tpu.memory_space<vmem>>)
      tpu.yield
    }) : () -> ()
    %add3A_5 = arith.constant 16384 : i32
    %add3A_6 = arith.addi %add3A_5, %mul3A_4 : i32
    "tpu.region"() ({
      %run_scoped3A = tpu.sem_alloc : memref<!tpu.dma_semaphore, #tpu.memory_space<semaphore_mem>>
      %dma_start3A = tpu.memref_slice %arg4[%add3A_6] : memref<49152xf32, #tpu.memory_space<hbm>> -> memref<512xf32, #tpu.memory_space<hbm>>
      %dma_start3A_15 = tpu.memref_slice %arg4[%add3A_6] : memref<49152xf32, #tpu.memory_space<hbm>> -> memref<512xf32, #tpu.memory_space<hbm>>
      tpu.enqueue_dma source(%dma_start3A_15 : memref<512xf32, #tpu.memory_space<hbm>>) target(%arg8 : memref<512xf32, #tpu.memory_space<vmem>>) target_semaphore(%run_scoped3A : memref<!tpu.dma_semaphore, #tpu.memory_space<semaphore_mem>>)
      %dma_wait3A = tpu.memref_slice %arg4[%add3A_6] : memref<49152xf32, #tpu.memory_space<hbm>> -> memref<512xf32, #tpu.memory_space<hbm>>
      %dma_wait3A_16 = tpu.memref_slice %arg4[%add3A_6] : memref<49152xf32, #tpu.memory_space<hbm>> -> memref<512xf32, #tpu.memory_space<hbm>>
      tpu.wait_dma2 semaphore(%run_scoped3A : memref<!tpu.dma_semaphore, #tpu.memory_space<semaphore_mem>>) src(%dma_wait3A_16 : memref<512xf32, #tpu.memory_space<hbm>>) dst(%arg8 : memref<512xf32, #tpu.memory_space<vmem>>)
      tpu.yield
    }) : () -> ()
    %add3A_7 = arith.constant 32768 : i32
    %add3A_8 = arith.addi %add3A_7, %mul3A_4 : i32
    "tpu.region"() ({
      %run_scoped3A = tpu.sem_alloc : memref<!tpu.dma_semaphore, #tpu.memory_space<semaphore_mem>>
      %dma_start3A = tpu.memref_slice %arg4[%add3A_8] : memref<49152xf32, #tpu.memory_space<hbm>> -> memref<512xf32, #tpu.memory_space<hbm>>
      %dma_start3A_15 = tpu.memref_slice %arg4[%add3A_8] : memref<49152xf32, #tpu.memory_space<hbm>> -> memref<512xf32, #tpu.memory_space<hbm>>
      tpu.enqueue_dma source(%dma_start3A_15 : memref<512xf32, #tpu.memory_space<hbm>>) target(%arg9 : memref<512xf32, #tpu.memory_space<vmem>>) target_semaphore(%run_scoped3A : memref<!tpu.dma_semaphore, #tpu.memory_space<semaphore_mem>>)
      %dma_wait3A = tpu.memref_slice %arg4[%add3A_8] : memref<49152xf32, #tpu.memory_space<hbm>> -> memref<512xf32, #tpu.memory_space<hbm>>
      %dma_wait3A_16 = tpu.memref_slice %arg4[%add3A_8] : memref<49152xf32, #tpu.memory_space<hbm>> -> memref<512xf32, #tpu.memory_space<hbm>>
      tpu.wait_dma2 semaphore(%run_scoped3A : memref<!tpu.dma_semaphore, #tpu.memory_space<semaphore_mem>>) src(%dma_wait3A_16 : memref<512xf32, #tpu.memory_space<hbm>>) dst(%arg9 : memref<512xf32, #tpu.memory_space<vmem>>)
      tpu.yield
    }) : () -> ()
    %scan3A = arith.constant 0 : i32
    %scan3A_9 = arith.constant 0 : i32
    %scan3A_10 = arith.constant 32 : i32
    %scan3A_11 = arith.addi %scan3A_9, %scan3A_10 : i32
    %scan3A_12 = arith.constant 1 : i32
    %scan3A_13 = scf.for %scan3A_15 = %scan3A_9 to %scan3A_11 step %scan3A_12 iter_args(%scan3A_16 = %scan3A) -> (i32)  : i32 {
      %mul3A_17 = arith.constant 48 : i32
      %mul3A_18 = arith.muli %scan3A_15, %mul3A_17 : i32
      %dma_start3A = tpu.memref_slice %arg6[%mul3A_18] : memref<1536xi32, #tpu.memory_space<vmem>> -> memref<48xi32, #tpu.memory_space<vmem>>
      %dma_start3A_19 = arith.constant 0 : i32
      %dma_start3A_20 = arith.constant 0 : i32
      %dma_start3A_21 = tpu.memref_slice %arg2[%dma_start3A_19, %dma_start3A_20] : memref<4096x1024xf32, #tpu.memory_space<hbm>> -> memref<4096x1024xf32, #tpu.memory_space<hbm>>
      tpu.enqueue_indirect_dma source(%dma_start3A_21 : memref<4096x1024xf32, #tpu.memory_space<hbm>>) target(%arg10 : memref<48x1024xf32, #tpu.memory_space<vmem>>) offsets(%dma_start3A : memref<48xi32, #tpu.memory_space<vmem>>) semaphore(%arg12 : memref<!tpu.dma_semaphore, #tpu.memory_space<semaphore_mem>>)
      %dma_wait3A = tpu.memref_slice %arg6[%mul3A_18] : memref<1536xi32, #tpu.memory_space<vmem>> -> memref<48xi32, #tpu.memory_space<vmem>>
      %dma_wait3A_22 = arith.constant 0 : i32
      %dma_wait3A_23 = arith.constant 0 : i32
      %dma_wait3A_24 = tpu.memref_slice %arg2[%dma_wait3A_22, %dma_wait3A_23] : memref<4096x1024xf32, #tpu.memory_space<hbm>> -> memref<4096x1024xf32, #tpu.memory_space<hbm>>
      tpu.wait_indirect_dma semaphore(%arg12 : memref<!tpu.dma_semaphore, #tpu.memory_space<semaphore_mem>>) src(%dma_wait3A_24 : memref<4096x1024xf32, #tpu.memory_space<hbm>>) dst(%arg10 : memref<48x1024xf32, #tpu.memory_space<vmem>>)
      %mul3A_25 = arith.constant 16 : i32
      %mul3A_26 = arith.muli %scan3A_15, %mul3A_25 : i32
      %get3A = arith.index_cast %mul3A_26 : i32 to index
      %get3A_27 = tpu.vector_load %arg7[%get3A] {strides = array<i32>} : memref<512xf32, #tpu.memory_space<vmem>>, vector<16xf32>,
      %get3A_28 = vector.shape_cast %get3A_27 : vector<16xf32> to vector<16xf32>
      %mul3A_29 = arith.constant 16 : i32
      %mul3A_30 = arith.muli %scan3A_15, %mul3A_29 : i32
      %get3A_31 = arith.index_cast %mul3A_30 : i32 to index
      %get3A_32 = tpu.vector_load %arg8[%get3A_31] {strides = array<i32>} : memref<512xf32, #tpu.memory_space<vmem>>, vector<16xf32>,
      %get3A_33 = vector.shape_cast %get3A_32 : vector<16xf32> to vector<16xf32>
      %mul3A_34 = arith.constant 16 : i32
      %mul3A_35 = arith.muli %scan3A_15, %mul3A_34 : i32
      %get3A_36 = arith.index_cast %mul3A_35 : i32 to index
      %get3A_37 = tpu.vector_load %arg9[%get3A_36] {strides = array<i32>} : memref<512xf32, #tpu.memory_space<vmem>>, vector<16xf32>,
      %get3A_38 = vector.shape_cast %get3A_37 : vector<16xf32> to vector<16xf32>
      %scan3A_39 = arith.constant 0 : i32
      %scan3A_40 = arith.constant 0 : i32
      %scan3A_41 = arith.constant 16 : i32
      %scan3A_42 = arith.addi %scan3A_40, %scan3A_41 : i32
      %scan3A_43 = arith.constant 1 : i32
      %scan3A_44 = scf.for %scan3A_50 = %scan3A_40 to %scan3A_42 step %scan3A_43 iter_args(%scan3A_51 = %scan3A_39) -> (i32)  : i32 {
        %broadcast_in_dim3A = arith.constant 0 : i32
        %broadcast_in_dim3A_52 = vector.broadcast %broadcast_in_dim3A : i32 to vector<16xi32>
        %add3A_53 = vector.broadcast %scan3A_50 : i32 to vector<16xi32>
        %add3A_54 = arith.addi %broadcast_in_dim3A_52, %add3A_53 : vector<16xi32>
        %lt3A = arith.constant 0 : i32
        %lt3A_55 = vector.broadcast %lt3A : i32 to vector<16xi32>
        %lt3A_56 = arith.cmpi slt, %add3A_54, %lt3A_55 : vector<16xi32>
        %add3A_57 = arith.constant 16 : i32
        %add3A_58 = vector.broadcast %add3A_57 : i32 to vector<16xi32>
        %add3A_59 = arith.addi %add3A_54, %add3A_58 : vector<16xi32>
        %select_n3A = arith.select %lt3A_56, %add3A_59, %add3A_54 : vector<16xi1>, vector<16xi32>
        %broadcast_in_dim3A_60 = vector.shape_cast %select_n3A : vector<16xi32> to vector<16x1xi32>
        %gather3A = vector.shape_cast %broadcast_in_dim3A_60 : vector<16x1xi32> to vector<16xi32>
        %gather3A_61 = tpu.dynamic_gather %get3A_28[%gather3A] in [0] : vector<16xf32>, vector<16xi32> -> vector<16xf32>
        %lt3A_62 = arith.constant 0 : i32
        %lt3A_63 = vector.broadcast %lt3A_62 : i32 to vector<16xi32>
        %lt3A_64 = arith.cmpi slt, %add3A_54, %lt3A_63 : vector<16xi32>
        %add3A_65 = arith.constant 16 : i32
        %add3A_66 = vector.broadcast %add3A_65 : i32 to vector<16xi32>
        %add3A_67 = arith.addi %add3A_54, %add3A_66 : vector<16xi32>
        %select_n3A_68 = arith.select %lt3A_64, %add3A_67, %add3A_54 : vector<16xi1>, vector<16xi32>
        %broadcast_in_dim3A_69 = vector.shape_cast %select_n3A_68 : vector<16xi32> to vector<16x1xi32>
        %gather3A_70 = vector.shape_cast %broadcast_in_dim3A_69 : vector<16x1xi32> to vector<16xi32>
        %gather3A_71 = tpu.dynamic_gather %get3A_33[%gather3A_70] in [0] : vector<16xf32>, vector<16xi32> -> vector<16xf32>
        %lt3A_72 = arith.constant 0 : i32
        %lt3A_73 = vector.broadcast %lt3A_72 : i32 to vector<16xi32>
        %lt3A_74 = arith.cmpi slt, %add3A_54, %lt3A_73 : vector<16xi32>
        %add3A_75 = arith.constant 16 : i32
        %add3A_76 = vector.broadcast %add3A_75 : i32 to vector<16xi32>
        %add3A_77 = arith.addi %add3A_54, %add3A_76 : vector<16xi32>
        %select_n3A_78 = arith.select %lt3A_74, %add3A_77, %add3A_54 : vector<16xi1>, vector<16xi32>
        %broadcast_in_dim3A_79 = vector.shape_cast %select_n3A_78 : vector<16xi32> to vector<16x1xi32>
        %gather3A_80 = vector.shape_cast %broadcast_in_dim3A_79 : vector<16x1xi32> to vector<16xi32>
        %gather3A_81 = tpu.dynamic_gather %get3A_38[%gather3A_80] in [0] : vector<16xf32>, vector<16xi32> -> vector<16xf32>
        %scan3A_82 = arith.constant 0 : i32
        %scan3A_83 = arith.constant 0 : i32
        %scan3A_84 = arith.constant 64 : i32
        %scan3A_85 = arith.addi %scan3A_83, %scan3A_84 : i32
        %scan3A_86 = arith.constant 8 : i32
        %scan3A_87 = scf.for %scan3A_90 = %scan3A_83 to %scan3A_85 step %scan3A_86 iter_args(%scan3A_91 = %scan3A_82) -> (i32)  : i32 {
          %mul3A_92 = arith.constant 16 : i32
          %mul3A_93 = arith.muli %scan3A_90, %mul3A_92 : i32
          %mul3A_94 = arith.constant 3 : i32
          %mul3A_95 = arith.muli %mul3A_94, %scan3A_50 : i32
          %get3A_96 = arith.index_cast %mul3A_95 : i32 to index
          %get3A_97 = arith.index_cast %mul3A_93 : i32 to index
          %get3A_98 = tpu.vector_load %arg10[%get3A_96, %get3A_97] {strides = array<i32>} : memref<48x1024xf32, #tpu.memory_space<vmem>>, vector<1x16xf32>,
          %get3A_99 = vector.shape_cast %get3A_98 : vector<1x16xf32> to vector<16xf32>
          %mul3A_100 = arith.mulf %get3A_99, %gather3A_61 : vector<16xf32>
          %mul3A_101 = arith.constant 3 : i32
          %mul3A_102 = arith.muli %mul3A_101, %scan3A_50 : i32
          %add3A_103 = arith.constant 1 : i32
          %add3A_104 = arith.addi %mul3A_102, %add3A_103 : i32
          %get3A_105 = arith.index_cast %add3A_104 : i32 to index
          %get3A_106 = arith.index_cast %mul3A_93 : i32 to index
          %get3A_107 = tpu.vector_load %arg10[%get3A_105, %get3A_106] {strides = array<i32>} : memref<48x1024xf32, #tpu.memory_space<vmem>>, vector<1x16xf32>,
          %get3A_108 = vector.shape_cast %get3A_107 : vector<1x16xf32> to vector<16xf32>
          %mul3A_109 = arith.mulf %get3A_108, %gather3A_71 : vector<16xf32>
          %add3A_110 = arith.addf %mul3A_100, %mul3A_109 : vector<16xf32>
          %mul3A_111 = arith.constant 3 : i32
          %mul3A_112 = arith.muli %mul3A_111, %scan3A_50 : i32
          %add3A_113 = arith.constant 2 : i32
          %add3A_114 = arith.addi %mul3A_112, %add3A_113 : i32
          %get3A_115 = arith.index_cast %add3A_114 : i32 to index
          %get3A_116 = arith.index_cast %mul3A_93 : i32 to index
          %get3A_117 = tpu.vector_load %arg10[%get3A_115, %get3A_116] {strides = array<i32>} : memref<48x1024xf32, #tpu.memory_space<vmem>>, vector<1x16xf32>,
          %get3A_118 = vector.shape_cast %get3A_117 : vector<1x16xf32> to vector<16xf32>
          %mul3A_119 = arith.mulf %get3A_118, %gather3A_81 : vector<16xf32>
          %add3A_120 = arith.addf %add3A_110, %mul3A_119 : vector<16xf32>
          %swap3A = arith.index_cast %scan3A_50 : i32 to index
          %swap3A_121 = arith.index_cast %mul3A_93 : i32 to index
          %swap3A_122 = tpu.vector_load %arg11[%swap3A, %swap3A_121] {strides = array<i32>} : memref<16x1024xf32, #tpu.memory_space<vmem>>, vector<1x16xf32>,
          %swap3A_123 = vector.shape_cast %swap3A_122 : vector<1x16xf32> to vector<16xf32>
          %swap3A_124 = vector.shape_cast %add3A_120 : vector<16xf32> to vector<1x16xf32>
          tpu.vector_store %arg11[%swap3A, %swap3A_121], %swap3A_124 {strides = array<i32>} : memref<16x1024xf32, #tpu.memory_space<vmem>>, vector<1x16xf32>,
          %scan3A_125 = arith.constant 0 : i32
          %scan3A_126 = arith.constant 1 : i32
          %scan3A_127 = arith.addi %scan3A_90, %scan3A_126 : i32
          %mul3A_128 = arith.constant 16 : i32
          %mul3A_129 = arith.muli %scan3A_127, %mul3A_128 : i32
          %mul3A_130 = arith.constant 3 : i32
          %mul3A_131 = arith.muli %mul3A_130, %scan3A_50 : i32
          %get3A_132 = arith.index_cast %mul3A_131 : i32 to index
          %get3A_133 = arith.index_cast %mul3A_129 : i32 to index
          %get3A_134 = tpu.vector_load %arg10[%get3A_132, %get3A_133] {strides = array<i32>} : memref<48x1024xf32, #tpu.memory_space<vmem>>, vector<1x16xf32>,
          %get3A_135 = vector.shape_cast %get3A_134 : vector<1x16xf32> to vector<16xf32>
          %mul3A_136 = arith.mulf %get3A_135, %gather3A_61 : vector<16xf32>
          %mul3A_137 = arith.constant 3 : i32
          %mul3A_138 = arith.muli %mul3A_137, %scan3A_50 : i32
          %add3A_139 = arith.constant 1 : i32
          %add3A_140 = arith.addi %mul3A_138, %add3A_139 : i32
          %get3A_141 = arith.index_cast %add3A_140 : i32 to index
          %get3A_142 = arith.index_cast %mul3A_129 : i32 to index
          %get3A_143 = tpu.vector_load %arg10[%get3A_141, %get3A_142] {strides = array<i32>} : memref<48x1024xf32, #tpu.memory_space<vmem>>, vector<1x16xf32>,
          %get3A_144 = vector.shape_cast %get3A_143 : vector<1x16xf32> to vector<16xf32>
          %mul3A_145 = arith.mulf %get3A_144, %gather3A_71 : vector<16xf32>
          %add3A_146 = arith.addf %mul3A_136, %mul3A_145 : vector<16xf32>
          %mul3A_147 = arith.constant 3 : i32
          %mul3A_148 = arith.muli %mul3A_147, %scan3A_50 : i32
          %add3A_149 = arith.constant 2 : i32
          %add3A_150 = arith.addi %mul3A_148, %add3A_149 : i32
          %get3A_151 = arith.index_cast %add3A_150 : i32 to index
          %get3A_152 = arith.index_cast %mul3A_129 : i32 to index
          %get3A_153 = tpu.vector_load %arg10[%get3A_151, %get3A_152] {strides = array<i32>} : memref<48x1024xf32, #tpu.memory_space<vmem>>, vector<1x16xf32>,
          %get3A_154 = vector.shape_cast %get3A_153 : vector<1x16xf32> to vector<16xf32>
          %mul3A_155 = arith.mulf %get3A_154, %gather3A_81 : vector<16xf32>
          %add3A_156 = arith.addf %add3A_146, %mul3A_155 : vector<16xf32>
          %swap3A_157 = arith.index_cast %scan3A_50 : i32 to index
          %swap3A_158 = arith.index_cast %mul3A_129 : i32 to index
          %swap3A_159 = tpu.vector_load %arg11[%swap3A_157, %swap3A_158] {strides = array<i32>} : memref<16x1024xf32, #tpu.memory_space<vmem>>, vector<1x16xf32>,
          %swap3A_160 = vector.shape_cast %swap3A_159 : vector<1x16xf32> to vector<16xf32>
          %swap3A_161 = vector.shape_cast %add3A_156 : vector<16xf32> to vector<1x16xf32>
          tpu.vector_store %arg11[%swap3A_157, %swap3A_158], %swap3A_161 {strides = array<i32>} : memref<16x1024xf32, #tpu.memory_space<vmem>>, vector<1x16xf32>,
          %scan3A_162 = arith.constant 0 : i32
          %scan3A_163 = arith.constant 2 : i32
          %scan3A_164 = arith.addi %scan3A_90, %scan3A_163 : i32
          %mul3A_165 = arith.constant 16 : i32
          %mul3A_166 = arith.muli %scan3A_164, %mul3A_165 : i32
          %mul3A_167 = arith.constant 3 : i32
          %mul3A_168 = arith.muli %mul3A_167, %scan3A_50 : i32
          %get3A_169 = arith.index_cast %mul3A_168 : i32 to index
          %get3A_170 = arith.index_cast %mul3A_166 : i32 to index
          %get3A_171 = tpu.vector_load %arg10[%get3A_169, %get3A_170] {strides = array<i32>} : memref<48x1024xf32, #tpu.memory_space<vmem>>, vector<1x16xf32>,
          %get3A_172 = vector.shape_cast %get3A_171 : vector<1x16xf32> to vector<16xf32>
          %mul3A_173 = arith.mulf %get3A_172, %gather3A_61 : vector<16xf32>
          %mul3A_174 = arith.constant 3 : i32
          %mul3A_175 = arith.muli %mul3A_174, %scan3A_50 : i32
          %add3A_176 = arith.constant 1 : i32
          %add3A_177 = arith.addi %mul3A_175, %add3A_176 : i32
          %get3A_178 = arith.index_cast %add3A_177 : i32 to index
          %get3A_179 = arith.index_cast %mul3A_166 : i32 to index
          %get3A_180 = tpu.vector_load %arg10[%get3A_178, %get3A_179] {strides = array<i32>} : memref<48x1024xf32, #tpu.memory_space<vmem>>, vector<1x16xf32>,
          %get3A_181 = vector.shape_cast %get3A_180 : vector<1x16xf32> to vector<16xf32>
          %mul3A_182 = arith.mulf %get3A_181, %gather3A_71 : vector<16xf32>
          %add3A_183 = arith.addf %mul3A_173, %mul3A_182 : vector<16xf32>
          %mul3A_184 = arith.constant 3 : i32
          %mul3A_185 = arith.muli %mul3A_184, %scan3A_50 : i32
          %add3A_186 = arith.constant 2 : i32
          %add3A_187 = arith.addi %mul3A_185, %add3A_186 : i32
          %get3A_188 = arith.index_cast %add3A_187 : i32 to index
          %get3A_189 = arith.index_cast %mul3A_166 : i32 to index
          %get3A_190 = tpu.vector_load %arg10[%get3A_188, %get3A_189] {strides = array<i32>} : memref<48x1024xf32, #tpu.memory_space<vmem>>, vector<1x16xf32>,
          %get3A_191 = vector.shape_cast %get3A_190 : vector<1x16xf32> to vector<16xf32>
          %mul3A_192 = arith.mulf %get3A_191, %gather3A_81 : vector<16xf32>
          %add3A_193 = arith.addf %add3A_183, %mul3A_192 : vector<16xf32>
          %swap3A_194 = arith.index_cast %scan3A_50 : i32 to index
          %swap3A_195 = arith.index_cast %mul3A_166 : i32 to index
          %swap3A_196 = tpu.vector_load %arg11[%swap3A_194, %swap3A_195] {strides = array<i32>} : memref<16x1024xf32, #tpu.memory_space<vmem>>, vector<1x16xf32>,
          %swap3A_197 = vector.shape_cast %swap3A_196 : vector<1x16xf32> to vector<16xf32>
          %swap3A_198 = vector.shape_cast %add3A_193 : vector<16xf32> to vector<1x16xf32>
          tpu.vector_store %arg11[%swap3A_194, %swap3A_195], %swap3A_198 {strides = array<i32>} : memref<16x1024xf32, #tpu.memory_space<vmem>>, vector<1x16xf32>,
          %scan3A_199 = arith.constant 0 : i32
          %scan3A_200 = arith.constant 3 : i32
          %scan3A_201 = arith.addi %scan3A_90, %scan3A_200 : i32
          %mul3A_202 = arith.constant 16 : i32
          %mul3A_203 = arith.muli %scan3A_201, %mul3A_202 : i32
          %mul3A_204 = arith.constant 3 : i32
          %mul3A_205 = arith.muli %mul3A_204, %scan3A_50 : i32
          %get3A_206 = arith.index_cast %mul3A_205 : i32 to index
          %get3A_207 = arith.index_cast %mul3A_203 : i32 to index
          %get3A_208 = tpu.vector_load %arg10[%get3A_206, %get3A_207] {strides = array<i32>} : memref<48x1024xf32, #tpu.memory_space<vmem>>, vector<1x16xf32>,
          %get3A_209 = vector.shape_cast %get3A_208 : vector<1x16xf32> to vector<16xf32>
          %mul3A_210 = arith.mulf %get3A_209, %gather3A_61 : vector<16xf32>
          %mul3A_211 = arith.constant 3 : i32
          %mul3A_212 = arith.muli %mul3A_211, %scan3A_50 : i32
          %add3A_213 = arith.constant 1 : i32
          %add3A_214 = arith.addi %mul3A_212, %add3A_213 : i32
          %get3A_215 = arith.index_cast %add3A_214 : i32 to index
          %get3A_216 = arith.index_cast %mul3A_203 : i32 to index
          %get3A_217 = tpu.vector_load %arg10[%get3A_215, %get3A_216] {strides = array<i32>} : memref<48x1024xf32, #tpu.memory_space<vmem>>, vector<1x16xf32>,
          %get3A_218 = vector.shape_cast %get3A_217 : vector<1x16xf32> to vector<16xf32>
          %mul3A_219 = arith.mulf %get3A_218, %gather3A_71 : vector<16xf32>
          %add3A_220 = arith.addf %mul3A_210, %mul3A_219 : vector<16xf32>
          %mul3A_221 = arith.constant 3 : i32
          %mul3A_222 = arith.muli %mul3A_221, %scan3A_50 : i32
          %add3A_223 = arith.constant 2 : i32
          %add3A_224 = arith.addi %mul3A_222, %add3A_223 : i32
          %get3A_225 = arith.index_cast %add3A_224 : i32 to index
          %get3A_226 = arith.index_cast %mul3A_203 : i32 to index
          %get3A_227 = tpu.vector_load %arg10[%get3A_225, %get3A_226] {strides = array<i32>} : memref<48x1024xf32, #tpu.memory_space<vmem>>, vector<1x16xf32>,
          %get3A_228 = vector.shape_cast %get3A_227 : vector<1x16xf32> to vector<16xf32>
          %mul3A_229 = arith.mulf %get3A_228, %gather3A_81 : vector<16xf32>
          %add3A_230 = arith.addf %add3A_220, %mul3A_229 : vector<16xf32>
          %swap3A_231 = arith.index_cast %scan3A_50 : i32 to index
          %swap3A_232 = arith.index_cast %mul3A_203 : i32 to index
          %swap3A_233 = tpu.vector_load %arg11[%swap3A_231, %swap3A_232] {strides = array<i32>} : memref<16x1024xf32, #tpu.memory_space<vmem>>, vector<1x16xf32>,
          %swap3A_234 = vector.shape_cast %swap3A_233 : vector<1x16xf32> to vector<16xf32>
          %swap3A_235 = vector.shape_cast %add3A_230 : vector<16xf32> to vector<1x16xf32>
          tpu.vector_store %arg11[%swap3A_231, %swap3A_232], %swap3A_235 {strides = array<i32>} : memref<16x1024xf32, #tpu.memory_space<vmem>>, vector<1x16xf32>,
          %scan3A_236 = arith.constant 0 : i32
          %scan3A_237 = arith.constant 4 : i32
          %scan3A_238 = arith.addi %scan3A_90, %scan3A_237 : i32
          %mul3A_239 = arith.constant 16 : i32
          %mul3A_240 = arith.muli %scan3A_238, %mul3A_239 : i32
          %mul3A_241 = arith.constant 3 : i32
          %mul3A_242 = arith.muli %mul3A_241, %scan3A_50 : i32
          %get3A_243 = arith.index_cast %mul3A_242 : i32 to index
          %get3A_244 = arith.index_cast %mul3A_240 : i32 to index
          %get3A_245 = tpu.vector_load %arg10[%get3A_243, %get3A_244] {strides = array<i32>} : memref<48x1024xf32, #tpu.memory_space<vmem>>, vector<1x16xf32>,
          %get3A_246 = vector.shape_cast %get3A_245 : vector<1x16xf32> to vector<16xf32>
          %mul3A_247 = arith.mulf %get3A_246, %gather3A_61 : vector<16xf32>
          %mul3A_248 = arith.constant 3 : i32
          %mul3A_249 = arith.muli %mul3A_248, %scan3A_50 : i32
          %add3A_250 = arith.constant 1 : i32
          %add3A_251 = arith.addi %mul3A_249, %add3A_250 : i32
          %get3A_252 = arith.index_cast %add3A_251 : i32 to index
          %get3A_253 = arith.index_cast %mul3A_240 : i32 to index
          %get3A_254 = tpu.vector_load %arg10[%get3A_252, %get3A_253] {strides = array<i32>} : memref<48x1024xf32, #tpu.memory_space<vmem>>, vector<1x16xf32>,
          %get3A_255 = vector.shape_cast %get3A_254 : vector<1x16xf32> to vector<16xf32>
          %mul3A_256 = arith.mulf %get3A_255, %gather3A_71 : vector<16xf32>
          %add3A_257 = arith.addf %mul3A_247, %mul3A_256 : vector<16xf32>
          %mul3A_258 = arith.constant 3 : i32
          %mul3A_259 = arith.muli %mul3A_258, %scan3A_50 : i32
          %add3A_260 = arith.constant 2 : i32
          %add3A_261 = arith.addi %mul3A_259, %add3A_260 : i32
          %get3A_262 = arith.index_cast %add3A_261 : i32 to index
          %get3A_263 = arith.index_cast %mul3A_240 : i32 to index
          %get3A_264 = tpu.vector_load %arg10[%get3A_262, %get3A_263] {strides = array<i32>} : memref<48x1024xf32, #tpu.memory_space<vmem>>, vector<1x16xf32>,
          %get3A_265 = vector.shape_cast %get3A_264 : vector<1x16xf32> to vector<16xf32>
          %mul3A_266 = arith.mulf %get3A_265, %gather3A_81 : vector<16xf32>
          %add3A_267 = arith.addf %add3A_257, %mul3A_266 : vector<16xf32>
          %swap3A_268 = arith.index_cast %scan3A_50 : i32 to index
          %swap3A_269 = arith.index_cast %mul3A_240 : i32 to index
          %swap3A_270 = tpu.vector_load %arg11[%swap3A_268, %swap3A_269] {strides = array<i32>} : memref<16x1024xf32, #tpu.memory_space<vmem>>, vector<1x16xf32>,
          %swap3A_271 = vector.shape_cast %swap3A_270 : vector<1x16xf32> to vector<16xf32>
          %swap3A_272 = vector.shape_cast %add3A_267 : vector<16xf32> to vector<1x16xf32>
          tpu.vector_store %arg11[%swap3A_268, %swap3A_269], %swap3A_272 {strides = array<i32>} : memref<16x1024xf32, #tpu.memory_space<vmem>>, vector<1x16xf32>,
          %scan3A_273 = arith.constant 0 : i32
          %scan3A_274 = arith.constant 5 : i32
          %scan3A_275 = arith.addi %scan3A_90, %scan3A_274 : i32
          %mul3A_276 = arith.constant 16 : i32
          %mul3A_277 = arith.muli %scan3A_275, %mul3A_276 : i32
          %mul3A_278 = arith.constant 3 : i32
          %mul3A_279 = arith.muli %mul3A_278, %scan3A_50 : i32
          %get3A_280 = arith.index_cast %mul3A_279 : i32 to index
          %get3A_281 = arith.index_cast %mul3A_277 : i32 to index
          %get3A_282 = tpu.vector_load %arg10[%get3A_280, %get3A_281] {strides = array<i32>} : memref<48x1024xf32, #tpu.memory_space<vmem>>, vector<1x16xf32>,
          %get3A_283 = vector.shape_cast %get3A_282 : vector<1x16xf32> to vector<16xf32>
          %mul3A_284 = arith.mulf %get3A_283, %gather3A_61 : vector<16xf32>
          %mul3A_285 = arith.constant 3 : i32
          %mul3A_286 = arith.muli %mul3A_285, %scan3A_50 : i32
          %add3A_287 = arith.constant 1 : i32
          %add3A_288 = arith.addi %mul3A_286, %add3A_287 : i32
          %get3A_289 = arith.index_cast %add3A_288 : i32 to index
          %get3A_290 = arith.index_cast %mul3A_277 : i32 to index
          %get3A_291 = tpu.vector_load %arg10[%get3A_289, %get3A_290] {strides = array<i32>} : memref<48x1024xf32, #tpu.memory_space<vmem>>, vector<1x16xf32>,
          %get3A_292 = vector.shape_cast %get3A_291 : vector<1x16xf32> to vector<16xf32>
          %mul3A_293 = arith.mulf %get3A_292, %gather3A_71 : vector<16xf32>
          %add3A_294 = arith.addf %mul3A_284, %mul3A_293 : vector<16xf32>
          %mul3A_295 = arith.constant 3 : i32
          %mul3A_296 = arith.muli %mul3A_295, %scan3A_50 : i32
          %add3A_297 = arith.constant 2 : i32
          %add3A_298 = arith.addi %mul3A_296, %add3A_297 : i32
          %get3A_299 = arith.index_cast %add3A_298 : i32 to index
          %get3A_300 = arith.index_cast %mul3A_277 : i32 to index
          %get3A_301 = tpu.vector_load %arg10[%get3A_299, %get3A_300] {strides = array<i32>} : memref<48x1024xf32, #tpu.memory_space<vmem>>, vector<1x16xf32>,
          %get3A_302 = vector.shape_cast %get3A_301 : vector<1x16xf32> to vector<16xf32>
          %mul3A_303 = arith.mulf %get3A_302, %gather3A_81 : vector<16xf32>
          %add3A_304 = arith.addf %add3A_294, %mul3A_303 : vector<16xf32>
          %swap3A_305 = arith.index_cast %scan3A_50 : i32 to index
          %swap3A_306 = arith.index_cast %mul3A_277 : i32 to index
          %swap3A_307 = tpu.vector_load %arg11[%swap3A_305, %swap3A_306] {strides = array<i32>} : memref<16x1024xf32, #tpu.memory_space<vmem>>, vector<1x16xf32>,
          %swap3A_308 = vector.shape_cast %swap3A_307 : vector<1x16xf32> to vector<16xf32>
          %swap3A_309 = vector.shape_cast %add3A_304 : vector<16xf32> to vector<1x16xf32>
          tpu.vector_store %arg11[%swap3A_305, %swap3A_306], %swap3A_309 {strides = array<i32>} : memref<16x1024xf32, #tpu.memory_space<vmem>>, vector<1x16xf32>,
          %scan3A_310 = arith.constant 0 : i32
          %scan3A_311 = arith.constant 6 : i32
          %scan3A_312 = arith.addi %scan3A_90, %scan3A_311 : i32
          %mul3A_313 = arith.constant 16 : i32
          %mul3A_314 = arith.muli %scan3A_312, %mul3A_313 : i32
          %mul3A_315 = arith.constant 3 : i32
          %mul3A_316 = arith.muli %mul3A_315, %scan3A_50 : i32
          %get3A_317 = arith.index_cast %mul3A_316 : i32 to index
          %get3A_318 = arith.index_cast %mul3A_314 : i32 to index
          %get3A_319 = tpu.vector_load %arg10[%get3A_317, %get3A_318] {strides = array<i32>} : memref<48x1024xf32, #tpu.memory_space<vmem>>, vector<1x16xf32>,
          %get3A_320 = vector.shape_cast %get3A_319 : vector<1x16xf32> to vector<16xf32>
          %mul3A_321 = arith.mulf %get3A_320, %gather3A_61 : vector<16xf32>
          %mul3A_322 = arith.constant 3 : i32
          %mul3A_323 = arith.muli %mul3A_322, %scan3A_50 : i32
          %add3A_324 = arith.constant 1 : i32
          %add3A_325 = arith.addi %mul3A_323, %add3A_324 : i32
          %get3A_326 = arith.index_cast %add3A_325 : i32 to index
          %get3A_327 = arith.index_cast %mul3A_314 : i32 to index
          %get3A_328 = tpu.vector_load %arg10[%get3A_326, %get3A_327] {strides = array<i32>} : memref<48x1024xf32, #tpu.memory_space<vmem>>, vector<1x16xf32>,
          %get3A_329 = vector.shape_cast %get3A_328 : vector<1x16xf32> to vector<16xf32>
          %mul3A_330 = arith.mulf %get3A_329, %gather3A_71 : vector<16xf32>
          %add3A_331 = arith.addf %mul3A_321, %mul3A_330 : vector<16xf32>
          %mul3A_332 = arith.constant 3 : i32
          %mul3A_333 = arith.muli %mul3A_332, %scan3A_50 : i32
          %add3A_334 = arith.constant 2 : i32
          %add3A_335 = arith.addi %mul3A_333, %add3A_334 : i32
          %get3A_336 = arith.index_cast %add3A_335 : i32 to index
          %get3A_337 = arith.index_cast %mul3A_314 : i32 to index
          %get3A_338 = tpu.vector_load %arg10[%get3A_336, %get3A_337] {strides = array<i32>} : memref<48x1024xf32, #tpu.memory_space<vmem>>, vector<1x16xf32>,
          %get3A_339 = vector.shape_cast %get3A_338 : vector<1x16xf32> to vector<16xf32>
          %mul3A_340 = arith.mulf %get3A_339, %gather3A_81 : vector<16xf32>
          %add3A_341 = arith.addf %add3A_331, %mul3A_340 : vector<16xf32>
          %swap3A_342 = arith.index_cast %scan3A_50 : i32 to index
          %swap3A_343 = arith.index_cast %mul3A_314 : i32 to index
          %swap3A_344 = tpu.vector_load %arg11[%swap3A_342, %swap3A_343] {strides = array<i32>} : memref<16x1024xf32, #tpu.memory_space<vmem>>, vector<1x16xf32>,
          %swap3A_345 = vector.shape_cast %swap3A_344 : vector<1x16xf32> to vector<16xf32>
          %swap3A_346 = vector.shape_cast %add3A_341 : vector<16xf32> to vector<1x16xf32>
          tpu.vector_store %arg11[%swap3A_342, %swap3A_343], %swap3A_346 {strides = array<i32>} : memref<16x1024xf32, #tpu.memory_space<vmem>>, vector<1x16xf32>,
          %scan3A_347 = arith.constant 0 : i32
          %scan3A_348 = arith.constant 7 : i32
          %scan3A_349 = arith.addi %scan3A_90, %scan3A_348 : i32
          %mul3A_350 = arith.constant 16 : i32
          %mul3A_351 = arith.muli %scan3A_349, %mul3A_350 : i32
          %mul3A_352 = arith.constant 3 : i32
          %mul3A_353 = arith.muli %mul3A_352, %scan3A_50 : i32
          %get3A_354 = arith.index_cast %mul3A_353 : i32 to index
          %get3A_355 = arith.index_cast %mul3A_351 : i32 to index
          %get3A_356 = tpu.vector_load %arg10[%get3A_354, %get3A_355] {strides = array<i32>} : memref<48x1024xf32, #tpu.memory_space<vmem>>, vector<1x16xf32>,
          %get3A_357 = vector.shape_cast %get3A_356 : vector<1x16xf32> to vector<16xf32>
          %mul3A_358 = arith.mulf %get3A_357, %gather3A_61 : vector<16xf32>
          %mul3A_359 = arith.constant 3 : i32
          %mul3A_360 = arith.muli %mul3A_359, %scan3A_50 : i32
          %add3A_361 = arith.constant 1 : i32
          %add3A_362 = arith.addi %mul3A_360, %add3A_361 : i32
          %get3A_363 = arith.index_cast %add3A_362 : i32 to index
          %get3A_364 = arith.index_cast %mul3A_351 : i32 to index
          %get3A_365 = tpu.vector_load %arg10[%get3A_363, %get3A_364] {strides = array<i32>} : memref<48x1024xf32, #tpu.memory_space<vmem>>, vector<1x16xf32>,
          %get3A_366 = vector.shape_cast %get3A_365 : vector<1x16xf32> to vector<16xf32>
          %mul3A_367 = arith.mulf %get3A_366, %gather3A_71 : vector<16xf32>
          %add3A_368 = arith.addf %mul3A_358, %mul3A_367 : vector<16xf32>
          %mul3A_369 = arith.constant 3 : i32
          %mul3A_370 = arith.muli %mul3A_369, %scan3A_50 : i32
          %add3A_371 = arith.constant 2 : i32
          %add3A_372 = arith.addi %mul3A_370, %add3A_371 : i32
          %get3A_373 = arith.index_cast %add3A_372 : i32 to index
          %get3A_374 = arith.index_cast %mul3A_351 : i32 to index
          %get3A_375 = tpu.vector_load %arg10[%get3A_373, %get3A_374] {strides = array<i32>} : memref<48x1024xf32, #tpu.memory_space<vmem>>, vector<1x16xf32>,
          %get3A_376 = vector.shape_cast %get3A_375 : vector<1x16xf32> to vector<16xf32>
          %mul3A_377 = arith.mulf %get3A_376, %gather3A_81 : vector<16xf32>
          %add3A_378 = arith.addf %add3A_368, %mul3A_377 : vector<16xf32>
          %swap3A_379 = arith.index_cast %scan3A_50 : i32 to index
          %swap3A_380 = arith.index_cast %mul3A_351 : i32 to index
          %swap3A_381 = tpu.vector_load %arg11[%swap3A_379, %swap3A_380] {strides = array<i32>} : memref<16x1024xf32, #tpu.memory_space<vmem>>, vector<1x16xf32>,
          %swap3A_382 = vector.shape_cast %swap3A_381 : vector<1x16xf32> to vector<16xf32>
          %swap3A_383 = vector.shape_cast %add3A_378 : vector<16xf32> to vector<1x16xf32>
          tpu.vector_store %arg11[%swap3A_379, %swap3A_380], %swap3A_383 {strides = array<i32>} : memref<16x1024xf32, #tpu.memory_space<vmem>>, vector<1x16xf32>,
          %scan3A_384 = arith.constant 0 : i32
          scf.yield %scan3A_384 : i32
        }
        %scan3A_88 = arith.constant 64 : i32
        %scan3A_89 = arith.constant 0 : i32
        scf.yield %scan3A_89 : i32
      }
      %scan3A_45 = arith.constant 16 : i32
      %mul3A_46 = arith.constant 16 : i32
      %mul3A_47 = arith.muli %scan3A_15, %mul3A_46 : i32
      %add3A_48 = arith.addi %mul3A_4, %mul3A_47 : i32
      "tpu.region"() ({
        %run_scoped3A = tpu.sem_alloc : memref<!tpu.dma_semaphore, #tpu.memory_space<semaphore_mem>>
        %dma_start3A_50 = arith.constant 0 : i32
        %dma_start3A_51 = tpu.memref_slice %arg5[%add3A_48, %dma_start3A_50] : memref<16384x1024xf32, #tpu.memory_space<hbm>> -> memref<16x1024xf32, #tpu.memory_space<hbm>>
        %dma_start3A_52 = arith.constant 0 : i32
        %dma_start3A_53 = tpu.memref_slice %arg5[%add3A_48, %dma_start3A_52] : memref<16384x1024xf32, #tpu.memory_space<hbm>> -> memref<16x1024xf32, #tpu.memory_space<hbm>>
        tpu.enqueue_dma source(%arg11 : memref<16x1024xf32, #tpu.memory_space<vmem>>) target(%dma_start3A_53 : memref<16x1024xf32, #tpu.memory_space<hbm>>) target_semaphore(%run_scoped3A : memref<!tpu.dma_semaphore, #tpu.memory_space<semaphore_mem>>)
        %dma_wait3A_54 = arith.constant 0 : i32
        %dma_wait3A_55 = tpu.memref_slice %arg5[%add3A_48, %dma_wait3A_54] : memref<16384x1024xf32, #tpu.memory_space<hbm>> -> memref<16x1024xf32, #tpu.memory_space<hbm>>
        %dma_wait3A_56 = arith.constant 0 : i32
        %dma_wait3A_57 = tpu.memref_slice %arg5[%add3A_48, %dma_wait3A_56] : memref<16384x1024xf32, #tpu.memory_space<hbm>> -> memref<16x1024xf32, #tpu.memory_space<hbm>>
        tpu.wait_dma2 semaphore(%run_scoped3A : memref<!tpu.dma_semaphore, #tpu.memory_space<semaphore_mem>>) src(%arg11 : memref<16x1024xf32, #tpu.memory_space<vmem>>) dst(%dma_wait3A_57 : memref<16x1024xf32, #tpu.memory_space<hbm>>)
        tpu.yield
      }) : () -> ()
      %scan3A_49 = arith.constant 0 : i32
      scf.yield %scan3A_49 : i32
    }
    %scan3A_14 = arith.constant 32 : i32
    return
  }
}

module attributes {stable_mosaic.version = 14 : i64} {
  func.func @_topk_body(%arg0: i32, %arg1: memref<256x1xi32, #tpu.memory_space<vmem>>, %arg2: memref<256x3xf32, #tpu.memory_space<vmem>>, %arg3: memref<1x4096xi32, #tpu.memory_space<vmem>>, %arg4: memref<3x4096xf32, #tpu.memory_space<vmem>>, %arg5: memref<256x3xi32, #tpu.memory_space<vmem>>, %arg6: memref<256x3xf32, #tpu.memory_space<vmem>>) attributes {dimension_semantics = [#tpu.dimension_semantics<arbitrary>], iteration_bounds = array<i64: 64>, scalar_prefetch = 0 : i64, scratch_operands = 0 : i64, tpu.core_type = #tpu.core_type<tc>, window_params = [{transform_indices = @transform_0, window_bounds = array<i64: 256, 1>}, {transform_indices = @transform_1, window_bounds = array<i64: 256, 3>}, {pipeline_mode = #tpu.pipeline_mode<synchronous>, transform_indices = @transform_2, window_bounds = array<i64: 1, 4096>}, {pipeline_mode = #tpu.pipeline_mode<synchronous>, transform_indices = @transform_3, window_bounds = array<i64: 3, 4096>}, {transform_indices = @transform_4, window_bounds = array<i64: 256, 3>}, {transform_indices = @transform_5, window_bounds = array<i64: 256, 3>}]} {
    %get3A = arith.constant 0 : index
    %get3A_0 = arith.constant 0 : index
    %get3A_1 = vector.load %arg2[%get3A, %get3A_0] : memref<256x3xf32, #tpu.memory_space<vmem>>, vector<256x3xf32>
    %slice3A = vector.extract_strided_slice %get3A_1 {offsets = [0, 0], sizes = [256, 1], strides = [1, 1]} : vector<256x3xf32> to vector<256x1xf32>
    %slice3A_2 = vector.extract_strided_slice %get3A_1 {offsets = [0, 1], sizes = [256, 1], strides = [1, 1]} : vector<256x3xf32> to vector<256x1xf32>
    %slice3A_3 = vector.extract_strided_slice %get3A_1 {offsets = [0, 2], sizes = [256, 1], strides = [1, 1]} : vector<256x3xf32> to vector<256x1xf32>
    %get3A_4 = arith.constant 0 : index
    %get3A_5 = arith.constant 0 : index
    %get3A_6 = vector.load %arg4[%get3A_4, %get3A_5] : memref<3x4096xf32, #tpu.memory_space<vmem>>, vector<1x4096xf32>
    %get3A_7 = arith.constant 1 : index
    %get3A_8 = arith.constant 0 : index
    %get3A_9 = vector.load %arg4[%get3A_7, %get3A_8] : memref<3x4096xf32, #tpu.memory_space<vmem>>, vector<1x4096xf32>
    %get3A_10 = arith.constant 2 : index
    %get3A_11 = arith.constant 0 : index
    %get3A_12 = vector.load %arg4[%get3A_10, %get3A_11] : memref<3x4096xf32, #tpu.memory_space<vmem>>, vector<1x4096xf32>
    %mul3A = arith.mulf %slice3A, %slice3A : vector<256x1xf32>
    %mul3A_13 = arith.mulf %slice3A_2, %slice3A_2 : vector<256x1xf32>
    %add3A = arith.addf %mul3A, %mul3A_13 : vector<256x1xf32>
    %mul3A_14 = arith.mulf %slice3A_3, %slice3A_3 : vector<256x1xf32>
    %add3A_15 = arith.addf %add3A, %mul3A_14 : vector<256x1xf32>
    %mul3A_16 = arith.mulf %get3A_6, %get3A_6 : vector<1x4096xf32>
    %mul3A_17 = arith.mulf %get3A_9, %get3A_9 : vector<1x4096xf32>
    %add3A_18 = arith.addf %mul3A_16, %mul3A_17 : vector<1x4096xf32>
    %mul3A_19 = arith.mulf %get3A_12, %get3A_12 : vector<1x4096xf32>
    %add3A_20 = arith.addf %add3A_18, %mul3A_19 : vector<1x4096xf32>
    %convert_element_type3A = arith.truncf %get3A_1 : vector<256x3xf32> to vector<256x3xbf16>
    %get3A_21 = arith.constant 0 : index
    %get3A_22 = arith.constant 0 : index
    %get3A_23 = vector.load %arg4[%get3A_21, %get3A_22] : memref<3x4096xf32, #tpu.memory_space<vmem>>, vector<3x4096xf32>
    %convert_element_type3A_24 = arith.truncf %get3A_23 : vector<3x4096xf32> to vector<3x4096xbf16>
    %dot_general3A = arith.constant dense<0.000000e+00> : vector<256x4096xf32>
    %dot_general3A_25 = tpu.matmul %convert_element_type3A, %convert_element_type3A_24, %dot_general3A {dimension_numbers = #tpu.dot_dimension_numbers<[1], [0], [0], [1], [0, 0, 1, 1], [], []>, transpose_lhs_hint = false} : vector<256x3xbf16>, vector<3x4096xbf16>, vector<256x4096xf32> -> vector<256x4096xf32>
    %mul3A_26 = arith.constant 2.000000e+00 : f32
    %mul3A_27 = vector.broadcast %mul3A_26 : f32 to vector<256x4096xf32>
    %mul3A_28 = arith.mulf %mul3A_27, %dot_general3A_25 : vector<256x4096xf32>
    %sub3A = vector.broadcast %add3A_15 : vector<256x1xf32> to vector<256x4096xf32>
    %sub3A_29 = arith.subf %sub3A, %mul3A_28 : vector<256x4096xf32>
    %add3A_30 = vector.broadcast %add3A_20 : vector<1x4096xf32> to vector<256x4096xf32>
    %add3A_31 = arith.addf %sub3A_29, %add3A_30 : vector<256x4096xf32>
    %get3A_32 = arith.constant 0 : index
    %get3A_33 = arith.constant 0 : index
    %get3A_34 = vector.load %arg1[%get3A_32, %get3A_33] : memref<256x1xi32, #tpu.memory_space<vmem>>, vector<256x1xi32>
    %get3A_35 = arith.constant 0 : index
    %get3A_36 = arith.constant 0 : index
    %get3A_37 = vector.load %arg3[%get3A_35, %get3A_36] : memref<1x4096xi32, #tpu.memory_space<vmem>>, vector<1x4096xi32>
    %ne3A = vector.broadcast %get3A_34 : vector<256x1xi32> to vector<256x4096xi32>
    %ne3A_38 = vector.broadcast %get3A_37 : vector<1x4096xi32> to vector<256x4096xi32>
    %ne3A_39 = arith.cmpi ne, %ne3A, %ne3A_38 : vector<256x4096xi32>
    %jit3A = arith.constant 1.000000e+10 : f32
    %broadcast_in_dim3A = vector.broadcast %jit3A : f32 to vector<256x4096xf32>
    %select_n3A = arith.select %ne3A_39, %broadcast_in_dim3A, %add3A_31 : vector<256x4096xi1>, vector<256x4096xf32>
    %iota3A = tpu.iota {dimensions = array<i32: 1>} : vector<256x4096xi32>
    %reduce_min3A = arith.constant dense<0x7F800000> : vector<256xf32>
    %reduce_min3A_40 = vector.multi_reduction <minimumf>, %select_n3A, %reduce_min3A [1] : vector<256x4096xf32> to vector<256xf32>
    %broadcast_in_dim3A_41 = vector.shape_cast %reduce_min3A_40 : vector<256xf32> to vector<256x1xf32>
    %eq3A = vector.broadcast %broadcast_in_dim3A_41 : vector<256x1xf32> to vector<256x4096xf32>
    %eq3A_42 = arith.cmpf oeq, %select_n3A, %eq3A : vector<256x4096xf32>
    %jit3A_43 = arith.constant 4096 : i32
    %broadcast_in_dim3A_44 = vector.broadcast %jit3A_43 : i32 to vector<256x4096xi32>
    %select_n3A_45 = arith.select %eq3A_42, %iota3A, %broadcast_in_dim3A_44 : vector<256x4096xi1>, vector<256x4096xi32>
    %reduce_min3A_46 = arith.constant dense<2147483647> : vector<256xi32>
    %reduce_min3A_47 = vector.multi_reduction <minsi>, %select_n3A_45, %reduce_min3A_46 [1] : vector<256x4096xi32> to vector<256xi32>
    %broadcast_in_dim3A_48 = vector.shape_cast %reduce_min3A_47 : vector<256xi32> to vector<256x1xi32>
    %jit3A_49 = arith.constant 1.000000e-16 : f32
    %max3A = vector.broadcast %jit3A_49 : f32 to vector<256x1xf32>
    %max3A_50 = arith.maximumf %max3A, %broadcast_in_dim3A_41 : vector<256x1xf32>
    %div3A = arith.constant 1.000000e+00 : f32
    %div3A_51 = vector.broadcast %div3A : f32 to vector<256x1xf32>
    %div3A_52 = arith.divf %div3A_51, %max3A_50 : vector<256x1xf32>
    %eq3A_53 = vector.broadcast %broadcast_in_dim3A_48 : vector<256x1xi32> to vector<256x4096xi32>
    %eq3A_54 = arith.cmpi eq, %iota3A, %eq3A_53 : vector<256x4096xi32>
    %jit3A_55 = arith.constant 1.000000e+30 : f32
    %broadcast_in_dim3A_56 = vector.broadcast %jit3A_55 : f32 to vector<256x4096xf32>
    %select_n3A_57 = arith.select %eq3A_54, %broadcast_in_dim3A_56, %select_n3A : vector<256x4096xi1>, vector<256x4096xf32>
    %reduce_min3A_58 = arith.constant dense<0x7F800000> : vector<256xf32>
    %reduce_min3A_59 = vector.multi_reduction <minimumf>, %select_n3A_57, %reduce_min3A_58 [1] : vector<256x4096xf32> to vector<256xf32>
    %broadcast_in_dim3A_60 = vector.shape_cast %reduce_min3A_59 : vector<256xf32> to vector<256x1xf32>
    %eq3A_61 = vector.broadcast %broadcast_in_dim3A_60 : vector<256x1xf32> to vector<256x4096xf32>
    %eq3A_62 = arith.cmpf oeq, %select_n3A_57, %eq3A_61 : vector<256x4096xf32>
    %jit3A_63 = arith.constant 4096 : i32
    %broadcast_in_dim3A_64 = vector.broadcast %jit3A_63 : i32 to vector<256x4096xi32>
    %select_n3A_65 = arith.select %eq3A_62, %iota3A, %broadcast_in_dim3A_64 : vector<256x4096xi1>, vector<256x4096xi32>
    %reduce_min3A_66 = arith.constant dense<2147483647> : vector<256xi32>
    %reduce_min3A_67 = vector.multi_reduction <minsi>, %select_n3A_65, %reduce_min3A_66 [1] : vector<256x4096xi32> to vector<256xi32>
    %broadcast_in_dim3A_68 = vector.shape_cast %reduce_min3A_67 : vector<256xi32> to vector<256x1xi32>
    %jit3A_69 = arith.constant 1.000000e-16 : f32
    %max3A_70 = vector.broadcast %jit3A_69 : f32 to vector<256x1xf32>
    %max3A_71 = arith.maximumf %max3A_70, %broadcast_in_dim3A_60 : vector<256x1xf32>
    %div3A_72 = arith.constant 1.000000e+00 : f32
    %div3A_73 = vector.broadcast %div3A_72 : f32 to vector<256x1xf32>
    %div3A_74 = arith.divf %div3A_73, %max3A_71 : vector<256x1xf32>
    %add3A_75 = arith.addf %div3A_52, %div3A_74 : vector<256x1xf32>
    %eq3A_76 = vector.broadcast %broadcast_in_dim3A_68 : vector<256x1xi32> to vector<256x4096xi32>
    %eq3A_77 = arith.cmpi eq, %iota3A, %eq3A_76 : vector<256x4096xi32>
    %jit3A_78 = arith.constant 1.000000e+30 : f32
    %broadcast_in_dim3A_79 = vector.broadcast %jit3A_78 : f32 to vector<256x4096xf32>
    %select_n3A_80 = arith.select %eq3A_77, %broadcast_in_dim3A_79, %select_n3A_57 : vector<256x4096xi1>, vector<256x4096xf32>
    %reduce_min3A_81 = arith.constant dense<0x7F800000> : vector<256xf32>
    %reduce_min3A_82 = vector.multi_reduction <minimumf>, %select_n3A_80, %reduce_min3A_81 [1] : vector<256x4096xf32> to vector<256xf32>
    %broadcast_in_dim3A_83 = vector.shape_cast %reduce_min3A_82 : vector<256xf32> to vector<256x1xf32>
    %eq3A_84 = vector.broadcast %broadcast_in_dim3A_83 : vector<256x1xf32> to vector<256x4096xf32>
    %eq3A_85 = arith.cmpf oeq, %select_n3A_80, %eq3A_84 : vector<256x4096xf32>
    %jit3A_86 = arith.constant 4096 : i32
    %broadcast_in_dim3A_87 = vector.broadcast %jit3A_86 : i32 to vector<256x4096xi32>
    %select_n3A_88 = arith.select %eq3A_85, %iota3A, %broadcast_in_dim3A_87 : vector<256x4096xi1>, vector<256x4096xi32>
    %reduce_min3A_89 = arith.constant dense<2147483647> : vector<256xi32>
    %reduce_min3A_90 = vector.multi_reduction <minsi>, %select_n3A_88, %reduce_min3A_89 [1] : vector<256x4096xi32> to vector<256xi32>
    %broadcast_in_dim3A_91 = vector.shape_cast %reduce_min3A_90 : vector<256xi32> to vector<256x1xi32>
    %jit3A_92 = arith.constant 1.000000e-16 : f32
    %max3A_93 = vector.broadcast %jit3A_92 : f32 to vector<256x1xf32>
    %max3A_94 = arith.maximumf %max3A_93, %broadcast_in_dim3A_83 : vector<256x1xf32>
    %div3A_95 = arith.constant 1.000000e+00 : f32
    %div3A_96 = vector.broadcast %div3A_95 : f32 to vector<256x1xf32>
    %div3A_97 = arith.divf %div3A_96, %max3A_94 : vector<256x1xf32>
    %add3A_98 = arith.addf %add3A_75, %div3A_97 : vector<256x1xf32>
    %concatenate3A = tpu.concatenate %broadcast_in_dim3A_48, %broadcast_in_dim3A_68, %broadcast_in_dim3A_91 in 1 : vector<256x1xi32>, vector<256x1xi32>, vector<256x1xi32> -> vector<256x3xi32>
    %swap3A = arith.constant 0 : index
    %swap3A_99 = arith.constant 0 : index
    %swap3A_100 = vector.load %arg5[%swap3A, %swap3A_99] : memref<256x3xi32, #tpu.memory_space<vmem>>, vector<256x3xi32>
    tpu.vector_store %arg5[%swap3A, %swap3A_99], %concatenate3A {strides = array<i32>} : memref<256x3xi32, #tpu.memory_space<vmem>>, vector<256x3xi32>,
    %concatenate3A_101 = tpu.concatenate %div3A_52, %div3A_74, %div3A_97 in 1 : vector<256x1xf32>, vector<256x1xf32>, vector<256x1xf32> -> vector<256x3xf32>
    %div3A_102 = vector.broadcast %add3A_98 : vector<256x1xf32> to vector<256x3xf32>
    %div3A_103 = arith.divf %concatenate3A_101, %div3A_102 : vector<256x3xf32>
    %swap3A_104 = arith.constant 0 : index
    %swap3A_105 = arith.constant 0 : index
    %swap3A_106 = vector.load %arg6[%swap3A_104, %swap3A_105] : memref<256x3xf32, #tpu.memory_space<vmem>>, vector<256x3xf32>
    tpu.vector_store %arg6[%swap3A_104, %swap3A_105], %div3A_103 {strides = array<i32>} : memref<256x3xf32, #tpu.memory_space<vmem>>, vector<256x3xf32>,
    return
  }
  func.func @transform_0(%arg0: i32) -> (i32, i32) {
    %c0_i32 = arith.constant 0 : i32
    %c0_i32_0 = arith.constant 0 : i32
    return %arg0, %c0_i32 : i32, i32
  }
  func.func @transform_1(%arg0: i32) -> (i32, i32) {
    %c0_i32 = arith.constant 0 : i32
    %c0_i32_0 = arith.constant 0 : i32
    return %arg0, %c0_i32 : i32, i32
  }
  func.func @transform_2(%arg0: i32) -> (i32, i32) {
    %c0_i32 = arith.constant 0 : i32
    %c0_i32_0 = arith.constant 0 : i32
    %c0_i32_1 = arith.constant 0 : i32
    return %c0_i32, %c0_i32_0 : i32, i32
  }
  func.func @transform_3(%arg0: i32) -> (i32, i32) {
    %c0_i32 = arith.constant 0 : i32
    %c0_i32_0 = arith.constant 0 : i32
    %c0_i32_1 = arith.constant 0 : i32
    return %c0_i32, %c0_i32_0 : i32, i32
  }
  func.func @transform_4(%arg0: i32) -> (i32, i32) {
    %c0_i32 = arith.constant 0 : i32
    %c0_i32_0 = arith.constant 0 : i32
    return %arg0, %c0_i32 : i32, i32
  }
  func.func @transform_5(%arg0: i32) -> (i32, i32) {
    %c0_i32 = arith.constant 0 : i32
    %c0_i32_0 = arith.constant 0 : i32
    return %arg0, %c0_i32 : i32, i32
  }
}

module attributes {stable_mosaic.version = 14 : i64} {
  func.func @_interp_body(%arg0: i32, %arg1: memref<256x1xi32, #tpu.memory_space<vmem>>, %arg2: memref<256x3xf32, #tpu.memory_space<vmem>>, %arg3: memref<1x256xi32, #tpu.memory_space<vmem>>, %arg4: memref<3x256xf32, #tpu.memory_space<vmem>>, %arg5: memref<256x2048xf32, #tpu.memory_space<vmem>>, %arg6: memref<256x2048xbf16, #tpu.memory_space<vmem>>) attributes {dimension_semantics = [#tpu.dimension_semantics<arbitrary>], iteration_bounds = array<i64: 4>, scalar_prefetch = 0 : i64, scratch_operands = 0 : i64, tpu.core_type = #tpu.core_type<tc>, window_params = [{transform_indices = @transform_0, window_bounds = array<i64: 256, 1>}, {transform_indices = @transform_1, window_bounds = array<i64: 256, 3>}, {pipeline_mode = #tpu.pipeline_mode<synchronous>, transform_indices = @transform_2, window_bounds = array<i64: 1, 256>}, {pipeline_mode = #tpu.pipeline_mode<synchronous>, transform_indices = @transform_3, window_bounds = array<i64: 3, 256>}, {pipeline_mode = #tpu.pipeline_mode<synchronous>, transform_indices = @transform_4, window_bounds = array<i64: 256, 2048>}, {transform_indices = @transform_5, window_bounds = array<i64: 256, 2048>}]} {
    %get3A = arith.constant 0 : index
    %get3A_0 = arith.constant 0 : index
    %get3A_1 = vector.load %arg2[%get3A, %get3A_0] : memref<256x3xf32, #tpu.memory_space<vmem>>, vector<256x3xf32>
    %slice3A = vector.extract_strided_slice %get3A_1 {offsets = [0, 0], sizes = [256, 1], strides = [1, 1]} : vector<256x3xf32> to vector<256x1xf32>
    %slice3A_2 = vector.extract_strided_slice %get3A_1 {offsets = [0, 1], sizes = [256, 1], strides = [1, 1]} : vector<256x3xf32> to vector<256x1xf32>
    %slice3A_3 = vector.extract_strided_slice %get3A_1 {offsets = [0, 2], sizes = [256, 1], strides = [1, 1]} : vector<256x3xf32> to vector<256x1xf32>
    %get3A_4 = arith.constant 0 : index
    %get3A_5 = arith.constant 0 : index
    %get3A_6 = vector.load %arg4[%get3A_4, %get3A_5] : memref<3x256xf32, #tpu.memory_space<vmem>>, vector<1x256xf32>
    %get3A_7 = arith.constant 1 : index
    %get3A_8 = arith.constant 0 : index
    %get3A_9 = vector.load %arg4[%get3A_7, %get3A_8] : memref<3x256xf32, #tpu.memory_space<vmem>>, vector<1x256xf32>
    %get3A_10 = arith.constant 2 : index
    %get3A_11 = arith.constant 0 : index
    %get3A_12 = vector.load %arg4[%get3A_10, %get3A_11] : memref<3x256xf32, #tpu.memory_space<vmem>>, vector<1x256xf32>
    %mul3A = arith.mulf %slice3A, %slice3A : vector<256x1xf32>
    %mul3A_13 = arith.mulf %slice3A_2, %slice3A_2 : vector<256x1xf32>
    %add3A = arith.addf %mul3A, %mul3A_13 : vector<256x1xf32>
    %mul3A_14 = arith.mulf %slice3A_3, %slice3A_3 : vector<256x1xf32>
    %add3A_15 = arith.addf %add3A, %mul3A_14 : vector<256x1xf32>
    %mul3A_16 = arith.mulf %get3A_6, %get3A_6 : vector<1x256xf32>
    %mul3A_17 = arith.mulf %get3A_9, %get3A_9 : vector<1x256xf32>
    %add3A_18 = arith.addf %mul3A_16, %mul3A_17 : vector<1x256xf32>
    %mul3A_19 = arith.mulf %get3A_12, %get3A_12 : vector<1x256xf32>
    %add3A_20 = arith.addf %add3A_18, %mul3A_19 : vector<1x256xf32>
    %convert_element_type3A = arith.truncf %get3A_1 : vector<256x3xf32> to vector<256x3xbf16>
    %get3A_21 = arith.constant 0 : index
    %get3A_22 = arith.constant 0 : index
    %get3A_23 = vector.load %arg4[%get3A_21, %get3A_22] : memref<3x256xf32, #tpu.memory_space<vmem>>, vector<3x256xf32>
    %convert_element_type3A_24 = arith.truncf %get3A_23 : vector<3x256xf32> to vector<3x256xbf16>
    %dot_general3A = arith.constant dense<0.000000e+00> : vector<256x256xf32>
    %dot_general3A_25 = tpu.matmul %convert_element_type3A, %convert_element_type3A_24, %dot_general3A {dimension_numbers = #tpu.dot_dimension_numbers<[1], [0], [0], [1], [0, 0, 1, 1], [], []>, transpose_lhs_hint = false} : vector<256x3xbf16>, vector<3x256xbf16>, vector<256x256xf32> -> vector<256x256xf32>
    %mul3A_26 = arith.constant 2.000000e+00 : f32
    %mul3A_27 = vector.broadcast %mul3A_26 : f32 to vector<256x256xf32>
    %mul3A_28 = arith.mulf %mul3A_27, %dot_general3A_25 : vector<256x256xf32>
    %sub3A = vector.broadcast %add3A_15 : vector<256x1xf32> to vector<256x256xf32>
    %sub3A_29 = arith.subf %sub3A, %mul3A_28 : vector<256x256xf32>
    %add3A_30 = vector.broadcast %add3A_20 : vector<1x256xf32> to vector<256x256xf32>
    %add3A_31 = arith.addf %sub3A_29, %add3A_30 : vector<256x256xf32>
    %get3A_32 = arith.constant 0 : index
    %get3A_33 = arith.constant 0 : index
    %get3A_34 = vector.load %arg1[%get3A_32, %get3A_33] : memref<256x1xi32, #tpu.memory_space<vmem>>, vector<256x1xi32>
    %get3A_35 = arith.constant 0 : index
    %get3A_36 = arith.constant 0 : index
    %get3A_37 = vector.load %arg3[%get3A_35, %get3A_36] : memref<1x256xi32, #tpu.memory_space<vmem>>, vector<1x256xi32>
    %ne3A = vector.broadcast %get3A_34 : vector<256x1xi32> to vector<256x256xi32>
    %ne3A_38 = vector.broadcast %get3A_37 : vector<1x256xi32> to vector<256x256xi32>
    %ne3A_39 = arith.cmpi ne, %ne3A, %ne3A_38 : vector<256x256xi32>
    %jit3A = arith.constant 1.000000e+10 : f32
    %broadcast_in_dim3A = vector.broadcast %jit3A : f32 to vector<256x256xf32>
    %select_n3A = arith.select %ne3A_39, %broadcast_in_dim3A, %add3A_31 : vector<256x256xi1>, vector<256x256xf32>
    %iota3A = tpu.iota {dimensions = array<i32: 1>} : vector<256x256xi32>
    %reduce_min3A = arith.constant dense<0x7F800000> : vector<256xf32>
    %reduce_min3A_40 = vector.multi_reduction <minimumf>, %select_n3A, %reduce_min3A [1] : vector<256x256xf32> to vector<256xf32>
    %broadcast_in_dim3A_41 = vector.shape_cast %reduce_min3A_40 : vector<256xf32> to vector<256x1xf32>
    %eq3A = vector.broadcast %broadcast_in_dim3A_41 : vector<256x1xf32> to vector<256x256xf32>
    %eq3A_42 = arith.cmpf oeq, %select_n3A, %eq3A : vector<256x256xf32>
    %jit3A_43 = arith.constant 256 : i32
    %broadcast_in_dim3A_44 = vector.broadcast %jit3A_43 : i32 to vector<256x256xi32>
    %select_n3A_45 = arith.select %eq3A_42, %iota3A, %broadcast_in_dim3A_44 : vector<256x256xi1>, vector<256x256xi32>
    %reduce_min3A_46 = arith.constant dense<2147483647> : vector<256xi32>
    %reduce_min3A_47 = vector.multi_reduction <minsi>, %select_n3A_45, %reduce_min3A_46 [1] : vector<256x256xi32> to vector<256xi32>
    %broadcast_in_dim3A_48 = vector.shape_cast %reduce_min3A_47 : vector<256xi32> to vector<256x1xi32>
    %eq3A_49 = vector.broadcast %broadcast_in_dim3A_48 : vector<256x1xi32> to vector<256x256xi32>
    %eq3A_50 = arith.cmpi eq, %iota3A, %eq3A_49 : vector<256x256xi32>
    %convert_element_type3A_51 = arith.extui %eq3A_50 : vector<256x256xi1> to vector<256x256xi32>
    %convert_element_type3A_52 = arith.sitofp %convert_element_type3A_51 : vector<256x256xi32> to vector<256x256xf32>
    %get3A_53 = arith.constant 0 : index
    %get3A_54 = arith.constant 0 : index
    %get3A_55 = vector.load %arg5[%get3A_53, %get3A_54] : memref<256x2048xf32, #tpu.memory_space<vmem>>, vector<256x2048xf32>
    %dot_general3A_56 = arith.constant dense<0.000000e+00> : vector<256x2048xf32>
    %dot_general3A_57 = tpu.matmul %convert_element_type3A_52, %get3A_55, %dot_general3A_56 {dimension_numbers = #tpu.dot_dimension_numbers<[1], [0], [0], [1], [0, 0, 1, 1], [], []>, transpose_lhs_hint = false} : vector<256x256xf32>, vector<256x2048xf32>, vector<256x2048xf32> -> vector<256x2048xf32>
    %convert_element_type3A_58 = arith.truncf %dot_general3A_57 : vector<256x2048xf32> to vector<256x2048xbf16>
    %swap3A = arith.constant 0 : index
    %swap3A_59 = arith.constant 0 : index
    %swap3A_60 = vector.load %arg6[%swap3A, %swap3A_59] : memref<256x2048xbf16, #tpu.memory_space<vmem>>, vector<256x2048xbf16>
    tpu.vector_store %arg6[%swap3A, %swap3A_59], %convert_element_type3A_58 {strides = array<i32>} : memref<256x2048xbf16, #tpu.memory_space<vmem>>, vector<256x2048xbf16>,
    return
  }
  func.func @transform_0(%arg0: i32) -> (i32, i32) {
    %c0_i32 = arith.constant 0 : i32
    %c0_i32_0 = arith.constant 0 : i32
    return %arg0, %c0_i32 : i32, i32
  }
  func.func @transform_1(%arg0: i32) -> (i32, i32) {
    %c0_i32 = arith.constant 0 : i32
    %c0_i32_0 = arith.constant 0 : i32
    return %arg0, %c0_i32 : i32, i32
  }
  func.func @transform_2(%arg0: i32) -> (i32, i32) {
    %c0_i32 = arith.constant 0 : i32
    %c0_i32_0 = arith.constant 0 : i32
    %c0_i32_1 = arith.constant 0 : i32
    return %c0_i32, %c0_i32_0 : i32, i32
  }
  func.func @transform_3(%arg0: i32) -> (i32, i32) {
    %c0_i32 = arith.constant 0 : i32
    %c0_i32_0 = arith.constant 0 : i32
    %c0_i32_1 = arith.constant 0 : i32
    return %c0_i32, %c0_i32_0 : i32, i32
  }
  func.func @transform_4(%arg0: i32) -> (i32, i32) {
    %c0_i32 = arith.constant 0 : i32
    %c0_i32_0 = arith.constant 0 : i32
    %c0_i32_1 = arith.constant 0 : i32
    return %c0_i32, %c0_i32_0 : i32, i32
  }
  func.func @transform_5(%arg0: i32) -> (i32, i32) {
    %c0_i32 = arith.constant 0 : i32
    %c0_i32_0 = arith.constant 0 : i32
    return %arg0, %c0_i32 : i32, i32
  }
}

module attributes {stable_mosaic.version = 14 : i64} {
  func.func @_linear_body(%arg0: i32, %arg1: memref<512x2048xbf16, #tpu.memory_space<vmem>>, %arg2: memref<3072x1024xf32, #tpu.memory_space<vmem>>, %arg3: memref<1x1024xf32, #tpu.memory_space<vmem>>, %arg4: memref<512x1024xf32, #tpu.memory_space<vmem>>, %arg5: memref<512x1024xf32, #tpu.memory_space<vmem>>, %arg6: memref<1x1024xf32, #tpu.memory_space<vmem>>, %arg7: memref<1x1024xf32, #tpu.memory_space<vmem>>) attributes {dimension_semantics = [#tpu.dimension_semantics<arbitrary>], iteration_bounds = array<i64: 2>, scalar_prefetch = 0 : i64, scratch_operands = 0 : i64, tpu.core_type = #tpu.core_type<tc>, window_params = [{transform_indices = @transform_0, window_bounds = array<i64: 512, 2048>}, {pipeline_mode = #tpu.pipeline_mode<synchronous>, transform_indices = @transform_1, window_bounds = array<i64: 3072, 1024>}, {pipeline_mode = #tpu.pipeline_mode<synchronous>, transform_indices = @transform_2, window_bounds = array<i64: 1, 1024>}, {transform_indices = @transform_3, window_bounds = array<i64: 512, 1024>}, {transform_indices = @transform_4, window_bounds = array<i64: 512, 1024>}, {pipeline_mode = #tpu.pipeline_mode<synchronous>, transform_indices = @transform_5, window_bounds = array<i64: 1, 1024>}, {pipeline_mode = #tpu.pipeline_mode<synchronous>, transform_indices = @transform_6, window_bounds = array<i64: 1, 1024>}]} {
    %get3A = arith.constant 0 : index
    %get3A_0 = arith.constant 0 : index
    %get3A_1 = vector.load %arg1[%get3A, %get3A_0] : memref<512x2048xbf16, #tpu.memory_space<vmem>>, vector<512x2048xbf16>
    %get3A_2 = arith.constant 0 : index
    %get3A_3 = arith.constant 0 : index
    %get3A_4 = vector.load %arg2[%get3A_2, %get3A_3] : memref<3072x1024xf32, #tpu.memory_space<vmem>>, vector<2048x1024xf32>
    %convert_element_type3A = arith.truncf %get3A_4 : vector<2048x1024xf32> to vector<2048x1024xbf16>
    %dot_general3A = arith.constant dense<0.000000e+00> : vector<512x1024xf32>
    %dot_general3A_5 = tpu.matmul %get3A_1, %convert_element_type3A, %dot_general3A {dimension_numbers = #tpu.dot_dimension_numbers<[1], [0], [0], [1], [0, 0, 1, 1], [], []>, transpose_lhs_hint = false} : vector<512x2048xbf16>, vector<2048x1024xbf16>, vector<512x1024xf32> -> vector<512x1024xf32>
    %get3A_6 = arith.constant 0 : index
    %get3A_7 = arith.constant 0 : index
    %get3A_8 = vector.load %arg4[%get3A_6, %get3A_7] : memref<512x1024xf32, #tpu.memory_space<vmem>>, vector<512x1024xf32>
    %get3A_9 = arith.constant 2048 : index
    %get3A_10 = arith.constant 0 : index
    %get3A_11 = vector.load %arg2[%get3A_9, %get3A_10] : memref<3072x1024xf32, #tpu.memory_space<vmem>>, vector<1024x1024xf32>
    %dot_general3A_12 = arith.constant dense<0.000000e+00> : vector<512x1024xf32>
    %dot_general3A_13 = tpu.matmul %get3A_8, %get3A_11, %dot_general3A_12 {dimension_numbers = #tpu.dot_dimension_numbers<[1], [0], [0], [1], [0, 0, 1, 1], [], []>, transpose_lhs_hint = false} : vector<512x1024xf32>, vector<1024x1024xf32>, vector<512x1024xf32> -> vector<512x1024xf32>
    %add3A = arith.addf %dot_general3A_5, %dot_general3A_13 : vector<512x1024xf32>
    %get3A_14 = arith.constant 0 : index
    %get3A_15 = arith.constant 0 : index
    %get3A_16 = vector.load %arg3[%get3A_14, %get3A_15] : memref<1x1024xf32, #tpu.memory_space<vmem>>, vector<1x1024xf32>
    %add3A_17 = vector.broadcast %get3A_16 : vector<1x1024xf32> to vector<512x1024xf32>
    %add3A_18 = arith.addf %add3A, %add3A_17 : vector<512x1024xf32>
    %max3A = arith.constant 0.000000e+00 : f32
    %max3A_19 = vector.broadcast %max3A : f32 to vector<512x1024xf32>
    %max3A_20 = arith.maximumf %add3A_18, %max3A_19 : vector<512x1024xf32>
    %swap3A = arith.constant 0 : index
    %swap3A_21 = arith.constant 0 : index
    %swap3A_22 = vector.load %arg5[%swap3A, %swap3A_21] : memref<512x1024xf32, #tpu.memory_space<vmem>>, vector<512x1024xf32>
    tpu.vector_store %arg5[%swap3A, %swap3A_21], %max3A_20 {strides = array<i32>} : memref<512x1024xf32, #tpu.memory_space<vmem>>, vector<512x1024xf32>,
    %reduce_sum3A = arith.constant dense<0.000000e+00> : vector<1024xf32>
    %reduce_sum3A_23 = vector.multi_reduction <add>, %max3A_20, %reduce_sum3A [0] : vector<512x1024xf32> to vector<1024xf32>
    %broadcast_in_dim3A = vector.shape_cast %reduce_sum3A_23 : vector<1024xf32> to vector<1x1024xf32>
    %mul3A = arith.mulf %max3A_20, %max3A_20 : vector<512x1024xf32>
    %reduce_sum3A_24 = arith.constant dense<0.000000e+00> : vector<1024xf32>
    %reduce_sum3A_25 = vector.multi_reduction <add>, %mul3A, %reduce_sum3A_24 [0] : vector<512x1024xf32> to vector<1024xf32>
    %broadcast_in_dim3A_26 = vector.shape_cast %reduce_sum3A_25 : vector<1024xf32> to vector<1x1024xf32>
    %eq3A = arith.constant 0 : i32
    %eq3A_27 = arith.cmpi eq, %arg0, %eq3A : i32
    %convert_element_type3A_28 = arith.extui %eq3A_27 : i1 to i32
    %cond3A = arith.constant 0 : i32
    %cond3A_29 = arith.cmpi ne, %convert_element_type3A_28, %cond3A : i32
    scf.if %cond3A_29 {
      %swap3A_34 = arith.constant 0 : index
      %swap3A_35 = arith.constant 0 : index
      %swap3A_36 = vector.load %arg6[%swap3A_34, %swap3A_35] : memref<1x1024xf32, #tpu.memory_space<vmem>>, vector<1x1024xf32>
      tpu.vector_store %arg6[%swap3A_34, %swap3A_35], %broadcast_in_dim3A {strides = array<i32>} : memref<1x1024xf32, #tpu.memory_space<vmem>>, vector<1x1024xf32>,
      %swap3A_37 = arith.constant 0 : index
      %swap3A_38 = arith.constant 0 : index
      %swap3A_39 = vector.load %arg7[%swap3A_37, %swap3A_38] : memref<1x1024xf32, #tpu.memory_space<vmem>>, vector<1x1024xf32>
      tpu.vector_store %arg7[%swap3A_37, %swap3A_38], %broadcast_in_dim3A_26 {strides = array<i32>} : memref<1x1024xf32, #tpu.memory_space<vmem>>, vector<1x1024xf32>,
    } else {
    }
    %gt3A = arith.constant 0 : i32
    %gt3A_30 = arith.cmpi sgt, %arg0, %gt3A : i32
    %convert_element_type3A_31 = arith.extui %gt3A_30 : i1 to i32
    %cond3A_32 = arith.constant 0 : i32
    %cond3A_33 = arith.cmpi ne, %convert_element_type3A_31, %cond3A_32 : i32
    scf.if %cond3A_33 {
      %get3A_34 = arith.constant 0 : index
      %get3A_35 = arith.constant 0 : index
      %get3A_36 = vector.load %arg6[%get3A_34, %get3A_35] : memref<1x1024xf32, #tpu.memory_space<vmem>>, vector<1x1024xf32>
      %add3A_37 = arith.addf %get3A_36, %broadcast_in_dim3A : vector<1x1024xf32>
      %swap3A_38 = arith.constant 0 : index
      %swap3A_39 = arith.constant 0 : index
      %swap3A_40 = vector.load %arg6[%swap3A_38, %swap3A_39] : memref<1x1024xf32, #tpu.memory_space<vmem>>, vector<1x1024xf32>
      tpu.vector_store %arg6[%swap3A_38, %swap3A_39], %add3A_37 {strides = array<i32>} : memref<1x1024xf32, #tpu.memory_space<vmem>>, vector<1x1024xf32>,
      %get3A_41 = arith.constant 0 : index
      %get3A_42 = arith.constant 0 : index
      %get3A_43 = vector.load %arg7[%get3A_41, %get3A_42] : memref<1x1024xf32, #tpu.memory_space<vmem>>, vector<1x1024xf32>
      %add3A_44 = arith.addf %get3A_43, %broadcast_in_dim3A_26 : vector<1x1024xf32>
      %swap3A_45 = arith.constant 0 : index
      %swap3A_46 = arith.constant 0 : index
      %swap3A_47 = vector.load %arg7[%swap3A_45, %swap3A_46] : memref<1x1024xf32, #tpu.memory_space<vmem>>, vector<1x1024xf32>
      tpu.vector_store %arg7[%swap3A_45, %swap3A_46], %add3A_44 {strides = array<i32>} : memref<1x1024xf32, #tpu.memory_space<vmem>>, vector<1x1024xf32>,
    } else {
    }
    return
  }
  func.func @transform_0(%arg0: i32) -> (i32, i32) {
    %c0_i32 = arith.constant 0 : i32
    %c0_i32_0 = arith.constant 0 : i32
    return %arg0, %c0_i32 : i32, i32
  }
  func.func @transform_1(%arg0: i32) -> (i32, i32) {
    %c0_i32 = arith.constant 0 : i32
    %c0_i32_0 = arith.constant 0 : i32
    %c0_i32_1 = arith.constant 0 : i32
    return %c0_i32, %c0_i32_0 : i32, i32
  }
  func.func @transform_2(%arg0: i32) -> (i32, i32) {
    %c0_i32 = arith.constant 0 : i32
    %c0_i32_0 = arith.constant 0 : i32
    %c0_i32_1 = arith.constant 0 : i32
    return %c0_i32, %c0_i32_0 : i32, i32
  }
  func.func @transform_3(%arg0: i32) -> (i32, i32) {
    %c0_i32 = arith.constant 0 : i32
    %c0_i32_0 = arith.constant 0 : i32
    return %arg0, %c0_i32 : i32, i32
  }
  func.func @transform_4(%arg0: i32) -> (i32, i32) {
    %c0_i32 = arith.constant 0 : i32
    %c0_i32_0 = arith.constant 0 : i32
    return %arg0, %c0_i32 : i32, i32
  }
  func.func @transform_5(%arg0: i32) -> (i32, i32) {
    %c0_i32 = arith.constant 0 : i32
    %c0_i32_0 = arith.constant 0 : i32
    %c0_i32_1 = arith.constant 0 : i32
    return %c0_i32, %c0_i32_0 : i32, i32
  }
  func.func @transform_6(%arg0: i32) -> (i32, i32) {
    %c0_i32 = arith.constant 0 : i32
    %c0_i32_0 = arith.constant 0 : i32
    %c0_i32_1 = arith.constant 0 : i32
    return %c0_i32, %c0_i32_0 : i32, i32
  }
}

module attributes {stable_mosaic.version = 14 : i64} {
  func.func @_linear_body(%arg0: i32, %arg1: memref<512x1024xf32, #tpu.memory_space<vmem>>, %arg2: memref<1024x1024xf32, #tpu.memory_space<vmem>>, %arg3: memref<1x1024xf32, #tpu.memory_space<vmem>>, %arg4: memref<1x1024xf32, #tpu.memory_space<vmem>>, %arg5: memref<1x1024xf32, #tpu.memory_space<vmem>>, %arg6: memref<1x1024xf32, #tpu.memory_space<vmem>>, %arg7: memref<1x1024xf32, #tpu.memory_space<vmem>>, %arg8: memref<512x1024xf32, #tpu.memory_space<vmem>>, %arg9: memref<1x1024xf32, #tpu.memory_space<vmem>>, %arg10: memref<1x1024xf32, #tpu.memory_space<vmem>>) attributes {dimension_semantics = [#tpu.dimension_semantics<arbitrary>], iteration_bounds = array<i64: 2>, scalar_prefetch = 0 : i64, scratch_operands = 0 : i64, tpu.core_type = #tpu.core_type<tc>, window_params = [{transform_indices = @transform_0, window_bounds = array<i64: 512, 1024>}, {pipeline_mode = #tpu.pipeline_mode<synchronous>, transform_indices = @transform_1, window_bounds = array<i64: 1024, 1024>}, {pipeline_mode = #tpu.pipeline_mode<synchronous>, transform_indices = @transform_2, window_bounds = array<i64: 1, 1024>}, {pipeline_mode = #tpu.pipeline_mode<synchronous>, transform_indices = @transform_3, window_bounds = array<i64: 1, 1024>}, {pipeline_mode = #tpu.pipeline_mode<synchronous>, transform_indices = @transform_4, window_bounds = array<i64: 1, 1024>}, {pipeline_mode = #tpu.pipeline_mode<synchronous>, transform_indices = @transform_5, window_bounds = array<i64: 1, 1024>}, {pipeline_mode = #tpu.pipeline_mode<synchronous>, transform_indices = @transform_6, window_bounds = array<i64: 1, 1024>}, {transform_indices = @transform_7, window_bounds = array<i64: 512, 1024>}, {pipeline_mode = #tpu.pipeline_mode<synchronous>, transform_indices = @transform_8, window_bounds = array<i64: 1, 1024>}, {pipeline_mode = #tpu.pipeline_mode<synchronous>, transform_indices = @transform_9, window_bounds = array<i64: 1, 1024>}]} {
    %get3A = arith.constant 0 : index
    %get3A_0 = arith.constant 0 : index
    %get3A_1 = vector.load %arg1[%get3A, %get3A_0] : memref<512x1024xf32, #tpu.memory_space<vmem>>, vector<512x1024xf32>
    %get3A_2 = arith.constant 0 : index
    %get3A_3 = arith.constant 0 : index
    %get3A_4 = vector.load %arg4[%get3A_2, %get3A_3] : memref<1x1024xf32, #tpu.memory_space<vmem>>, vector<1x1024xf32>
    %mul3A = arith.constant 9.765625E-4 : f32
    %mul3A_5 = vector.broadcast %mul3A : f32 to vector<1x1024xf32>
    %mul3A_6 = arith.mulf %get3A_4, %mul3A_5 : vector<1x1024xf32>
    %get3A_7 = arith.constant 0 : index
    %get3A_8 = arith.constant 0 : index
    %get3A_9 = vector.load %arg5[%get3A_7, %get3A_8] : memref<1x1024xf32, #tpu.memory_space<vmem>>, vector<1x1024xf32>
    %mul3A_10 = arith.constant 9.765625E-4 : f32
    %mul3A_11 = vector.broadcast %mul3A_10 : f32 to vector<1x1024xf32>
    %mul3A_12 = arith.mulf %get3A_9, %mul3A_11 : vector<1x1024xf32>
    %mul3A_13 = arith.mulf %mul3A_6, %mul3A_6 : vector<1x1024xf32>
    %sub3A = arith.subf %mul3A_12, %mul3A_13 : vector<1x1024xf32>
    %get3A_14 = arith.constant 0 : index
    %get3A_15 = arith.constant 0 : index
    %get3A_16 = vector.load %arg6[%get3A_14, %get3A_15] : memref<1x1024xf32, #tpu.memory_space<vmem>>, vector<1x1024xf32>
    %add3A = arith.constant 9.99999974E-6 : f32
    %add3A_17 = vector.broadcast %add3A : f32 to vector<1x1024xf32>
    %add3A_18 = arith.addf %sub3A, %add3A_17 : vector<1x1024xf32>
    %sqrt3A = math.sqrt %add3A_18 : vector<1x1024xf32>
    %div3A = arith.divf %get3A_16, %sqrt3A : vector<1x1024xf32>
    %get3A_19 = arith.constant 0 : index
    %get3A_20 = arith.constant 0 : index
    %get3A_21 = vector.load %arg7[%get3A_19, %get3A_20] : memref<1x1024xf32, #tpu.memory_space<vmem>>, vector<1x1024xf32>
    %mul3A_22 = arith.mulf %mul3A_6, %div3A : vector<1x1024xf32>
    %sub3A_23 = arith.subf %get3A_21, %mul3A_22 : vector<1x1024xf32>
    %mul3A_24 = vector.broadcast %div3A : vector<1x1024xf32> to vector<512x1024xf32>
    %mul3A_25 = arith.mulf %get3A_1, %mul3A_24 : vector<512x1024xf32>
    %add3A_26 = vector.broadcast %sub3A_23 : vector<1x1024xf32> to vector<512x1024xf32>
    %add3A_27 = arith.addf %mul3A_25, %add3A_26 : vector<512x1024xf32>
    %get3A_28 = arith.constant 0 : index
    %get3A_29 = arith.constant 0 : index
    %get3A_30 = vector.load %arg2[%get3A_28, %get3A_29] : memref<1024x1024xf32, #tpu.memory_space<vmem>>, vector<1024x1024xf32>
    %dot_general3A = arith.constant dense<0.000000e+00> : vector<512x1024xf32>
    %dot_general3A_31 = tpu.matmul %add3A_27, %get3A_30, %dot_general3A {dimension_numbers = #tpu.dot_dimension_numbers<[1], [0], [0], [1], [0, 0, 1, 1], [], []>, transpose_lhs_hint = false} : vector<512x1024xf32>, vector<1024x1024xf32>, vector<512x1024xf32> -> vector<512x1024xf32>
    %get3A_32 = arith.constant 0 : index
    %get3A_33 = arith.constant 0 : index
    %get3A_34 = vector.load %arg3[%get3A_32, %get3A_33] : memref<1x1024xf32, #tpu.memory_space<vmem>>, vector<1x1024xf32>
    %add3A_35 = vector.broadcast %get3A_34 : vector<1x1024xf32> to vector<512x1024xf32>
    %add3A_36 = arith.addf %dot_general3A_31, %add3A_35 : vector<512x1024xf32>
    %max3A = arith.constant 0.000000e+00 : f32
    %max3A_37 = vector.broadcast %max3A : f32 to vector<512x1024xf32>
    %max3A_38 = arith.maximumf %add3A_36, %max3A_37 : vector<512x1024xf32>
    %swap3A = arith.constant 0 : index
    %swap3A_39 = arith.constant 0 : index
    %swap3A_40 = vector.load %arg8[%swap3A, %swap3A_39] : memref<512x1024xf32, #tpu.memory_space<vmem>>, vector<512x1024xf32>
    tpu.vector_store %arg8[%swap3A, %swap3A_39], %max3A_38 {strides = array<i32>} : memref<512x1024xf32, #tpu.memory_space<vmem>>, vector<512x1024xf32>,
    %reduce_sum3A = arith.constant dense<0.000000e+00> : vector<1024xf32>
    %reduce_sum3A_41 = vector.multi_reduction <add>, %max3A_38, %reduce_sum3A [0] : vector<512x1024xf32> to vector<1024xf32>
    %broadcast_in_dim3A = vector.shape_cast %reduce_sum3A_41 : vector<1024xf32> to vector<1x1024xf32>
    %mul3A_42 = arith.mulf %max3A_38, %max3A_38 : vector<512x1024xf32>
    %reduce_sum3A_43 = arith.constant dense<0.000000e+00> : vector<1024xf32>
    %reduce_sum3A_44 = vector.multi_reduction <add>, %mul3A_42, %reduce_sum3A_43 [0] : vector<512x1024xf32> to vector<1024xf32>
    %broadcast_in_dim3A_45 = vector.shape_cast %reduce_sum3A_44 : vector<1024xf32> to vector<1x1024xf32>
    %eq3A = arith.constant 0 : i32
    %eq3A_46 = arith.cmpi eq, %arg0, %eq3A : i32
    %convert_element_type3A = arith.extui %eq3A_46 : i1 to i32
    %cond3A = arith.constant 0 : i32
    %cond3A_47 = arith.cmpi ne, %convert_element_type3A, %cond3A : i32
    scf.if %cond3A_47 {
      %swap3A_52 = arith.constant 0 : index
      %swap3A_53 = arith.constant 0 : index
      %swap3A_54 = vector.load %arg9[%swap3A_52, %swap3A_53] : memref<1x1024xf32, #tpu.memory_space<vmem>>, vector<1x1024xf32>
      tpu.vector_store %arg9[%swap3A_52, %swap3A_53], %broadcast_in_dim3A {strides = array<i32>} : memref<1x1024xf32, #tpu.memory_space<vmem>>, vector<1x1024xf32>,
      %swap3A_55 = arith.constant 0 : index
      %swap3A_56 = arith.constant 0 : index
      %swap3A_57 = vector.load %arg10[%swap3A_55, %swap3A_56] : memref<1x1024xf32, #tpu.memory_space<vmem>>, vector<1x1024xf32>
      tpu.vector_store %arg10[%swap3A_55, %swap3A_56], %broadcast_in_dim3A_45 {strides = array<i32>} : memref<1x1024xf32, #tpu.memory_space<vmem>>, vector<1x1024xf32>,
    } else {
    }
    %gt3A = arith.constant 0 : i32
    %gt3A_48 = arith.cmpi sgt, %arg0, %gt3A : i32
    %convert_element_type3A_49 = arith.extui %gt3A_48 : i1 to i32
    %cond3A_50 = arith.constant 0 : i32
    %cond3A_51 = arith.cmpi ne, %convert_element_type3A_49, %cond3A_50 : i32
    scf.if %cond3A_51 {
      %get3A_52 = arith.constant 0 : index
      %get3A_53 = arith.constant 0 : index
      %get3A_54 = vector.load %arg9[%get3A_52, %get3A_53] : memref<1x1024xf32, #tpu.memory_space<vmem>>, vector<1x1024xf32>
      %add3A_55 = arith.addf %get3A_54, %broadcast_in_dim3A : vector<1x1024xf32>
      %swap3A_56 = arith.constant 0 : index
      %swap3A_57 = arith.constant 0 : index
      %swap3A_58 = vector.load %arg9[%swap3A_56, %swap3A_57] : memref<1x1024xf32, #tpu.memory_space<vmem>>, vector<1x1024xf32>
      tpu.vector_store %arg9[%swap3A_56, %swap3A_57], %add3A_55 {strides = array<i32>} : memref<1x1024xf32, #tpu.memory_space<vmem>>, vector<1x1024xf32>,
      %get3A_59 = arith.constant 0 : index
      %get3A_60 = arith.constant 0 : index
      %get3A_61 = vector.load %arg10[%get3A_59, %get3A_60] : memref<1x1024xf32, #tpu.memory_space<vmem>>, vector<1x1024xf32>
      %add3A_62 = arith.addf %get3A_61, %broadcast_in_dim3A_45 : vector<1x1024xf32>
      %swap3A_63 = arith.constant 0 : index
      %swap3A_64 = arith.constant 0 : index
      %swap3A_65 = vector.load %arg10[%swap3A_63, %swap3A_64] : memref<1x1024xf32, #tpu.memory_space<vmem>>, vector<1x1024xf32>
      tpu.vector_store %arg10[%swap3A_63, %swap3A_64], %add3A_62 {strides = array<i32>} : memref<1x1024xf32, #tpu.memory_space<vmem>>, vector<1x1024xf32>,
    } else {
    }
    return
  }
  func.func @transform_0(%arg0: i32) -> (i32, i32) {
    %c0_i32 = arith.constant 0 : i32
    %c0_i32_0 = arith.constant 0 : i32
    return %arg0, %c0_i32 : i32, i32
  }
  func.func @transform_1(%arg0: i32) -> (i32, i32) {
    %c0_i32 = arith.constant 0 : i32
    %c0_i32_0 = arith.constant 0 : i32
    %c0_i32_1 = arith.constant 0 : i32
    return %c0_i32, %c0_i32_0 : i32, i32
  }
  func.func @transform_2(%arg0: i32) -> (i32, i32) {
    %c0_i32 = arith.constant 0 : i32
    %c0_i32_0 = arith.constant 0 : i32
    %c0_i32_1 = arith.constant 0 : i32
    return %c0_i32, %c0_i32_0 : i32, i32
  }
  func.func @transform_3(%arg0: i32) -> (i32, i32) {
    %c0_i32 = arith.constant 0 : i32
    %c0_i32_0 = arith.constant 0 : i32
    %c0_i32_1 = arith.constant 0 : i32
    return %c0_i32, %c0_i32_0 : i32, i32
  }
  func.func @transform_4(%arg0: i32) -> (i32, i32) {
    %c0_i32 = arith.constant 0 : i32
    %c0_i32_0 = arith.constant 0 : i32
    %c0_i32_1 = arith.constant 0 : i32
    return %c0_i32, %c0_i32_0 : i32, i32
  }
  func.func @transform_5(%arg0: i32) -> (i32, i32) {
    %c0_i32 = arith.constant 0 : i32
    %c0_i32_0 = arith.constant 0 : i32
    %c0_i32_1 = arith.constant 0 : i32
    return %c0_i32, %c0_i32_0 : i32, i32
  }
  func.func @transform_6(%arg0: i32) -> (i32, i32) {
    %c0_i32 = arith.constant 0 : i32
    %c0_i32_0 = arith.constant 0 : i32
    %c0_i32_1 = arith.constant 0 : i32
    return %c0_i32, %c0_i32_0 : i32, i32
  }
  func.func @transform_7(%arg0: i32) -> (i32, i32) {
    %c0_i32 = arith.constant 0 : i32
    %c0_i32_0 = arith.constant 0 : i32
    return %arg0, %c0_i32 : i32, i32
  }
  func.func @transform_8(%arg0: i32) -> (i32, i32) {
    %c0_i32 = arith.constant 0 : i32
    %c0_i32_0 = arith.constant 0 : i32
    %c0_i32_1 = arith.constant 0 : i32
    return %c0_i32, %c0_i32_0 : i32, i32
  }
  func.func @transform_9(%arg0: i32) -> (i32, i32) {
    %c0_i32 = arith.constant 0 : i32
    %c0_i32_0 = arith.constant 0 : i32
    %c0_i32_1 = arith.constant 0 : i32
    return %c0_i32, %c0_i32_0 : i32, i32
  }
}

module attributes {stable_mosaic.version = 14 : i64} {
  func.func @_interp_body(%arg0: i32, %arg1: memref<256x1xi32, #tpu.memory_space<vmem>>, %arg2: memref<256x3xf32, #tpu.memory_space<vmem>>, %arg3: memref<1x1024xi32, #tpu.memory_space<vmem>>, %arg4: memref<3x1024xf32, #tpu.memory_space<vmem>>, %arg5: memref<1024x1024xf32, #tpu.memory_space<vmem>>, %arg6: memref<1x1024xf32, #tpu.memory_space<vmem>>, %arg7: memref<1x1024xf32, #tpu.memory_space<vmem>>, %arg8: memref<1x1024xf32, #tpu.memory_space<vmem>>, %arg9: memref<1x1024xf32, #tpu.memory_space<vmem>>, %arg10: memref<256x1024xbf16, #tpu.memory_space<vmem>>) attributes {dimension_semantics = [#tpu.dimension_semantics<arbitrary>], iteration_bounds = array<i64: 16>, scalar_prefetch = 0 : i64, scratch_operands = 0 : i64, tpu.core_type = #tpu.core_type<tc>, window_params = [{transform_indices = @transform_0, window_bounds = array<i64: 256, 1>}, {transform_indices = @transform_1, window_bounds = array<i64: 256, 3>}, {pipeline_mode = #tpu.pipeline_mode<synchronous>, transform_indices = @transform_2, window_bounds = array<i64: 1, 1024>}, {pipeline_mode = #tpu.pipeline_mode<synchronous>, transform_indices = @transform_3, window_bounds = array<i64: 3, 1024>}, {pipeline_mode = #tpu.pipeline_mode<synchronous>, transform_indices = @transform_4, window_bounds = array<i64: 1024, 1024>}, {pipeline_mode = #tpu.pipeline_mode<synchronous>, transform_indices = @transform_5, window_bounds = array<i64: 1, 1024>}, {pipeline_mode = #tpu.pipeline_mode<synchronous>, transform_indices = @transform_6, window_bounds = array<i64: 1, 1024>}, {pipeline_mode = #tpu.pipeline_mode<synchronous>, transform_indices = @transform_7, window_bounds = array<i64: 1, 1024>}, {pipeline_mode = #tpu.pipeline_mode<synchronous>, transform_indices = @transform_8, window_bounds = array<i64: 1, 1024>}, {transform_indices = @transform_9, window_bounds = array<i64: 256, 1024>}]} {
    %get3A = arith.constant 0 : index
    %get3A_0 = arith.constant 0 : index
    %get3A_1 = vector.load %arg2[%get3A, %get3A_0] : memref<256x3xf32, #tpu.memory_space<vmem>>, vector<256x3xf32>
    %slice3A = vector.extract_strided_slice %get3A_1 {offsets = [0, 0], sizes = [256, 1], strides = [1, 1]} : vector<256x3xf32> to vector<256x1xf32>
    %slice3A_2 = vector.extract_strided_slice %get3A_1 {offsets = [0, 1], sizes = [256, 1], strides = [1, 1]} : vector<256x3xf32> to vector<256x1xf32>
    %slice3A_3 = vector.extract_strided_slice %get3A_1 {offsets = [0, 2], sizes = [256, 1], strides = [1, 1]} : vector<256x3xf32> to vector<256x1xf32>
    %get3A_4 = arith.constant 0 : index
    %get3A_5 = arith.constant 0 : index
    %get3A_6 = vector.load %arg4[%get3A_4, %get3A_5] : memref<3x1024xf32, #tpu.memory_space<vmem>>, vector<1x1024xf32>
    %get3A_7 = arith.constant 1 : index
    %get3A_8 = arith.constant 0 : index
    %get3A_9 = vector.load %arg4[%get3A_7, %get3A_8] : memref<3x1024xf32, #tpu.memory_space<vmem>>, vector<1x1024xf32>
    %get3A_10 = arith.constant 2 : index
    %get3A_11 = arith.constant 0 : index
    %get3A_12 = vector.load %arg4[%get3A_10, %get3A_11] : memref<3x1024xf32, #tpu.memory_space<vmem>>, vector<1x1024xf32>
    %mul3A = arith.mulf %slice3A, %slice3A : vector<256x1xf32>
    %mul3A_13 = arith.mulf %slice3A_2, %slice3A_2 : vector<256x1xf32>
    %add3A = arith.addf %mul3A, %mul3A_13 : vector<256x1xf32>
    %mul3A_14 = arith.mulf %slice3A_3, %slice3A_3 : vector<256x1xf32>
    %add3A_15 = arith.addf %add3A, %mul3A_14 : vector<256x1xf32>
    %mul3A_16 = arith.mulf %get3A_6, %get3A_6 : vector<1x1024xf32>
    %mul3A_17 = arith.mulf %get3A_9, %get3A_9 : vector<1x1024xf32>
    %add3A_18 = arith.addf %mul3A_16, %mul3A_17 : vector<1x1024xf32>
    %mul3A_19 = arith.mulf %get3A_12, %get3A_12 : vector<1x1024xf32>
    %add3A_20 = arith.addf %add3A_18, %mul3A_19 : vector<1x1024xf32>
    %convert_element_type3A = arith.truncf %get3A_1 : vector<256x3xf32> to vector<256x3xbf16>
    %get3A_21 = arith.constant 0 : index
    %get3A_22 = arith.constant 0 : index
    %get3A_23 = vector.load %arg4[%get3A_21, %get3A_22] : memref<3x1024xf32, #tpu.memory_space<vmem>>, vector<3x1024xf32>
    %convert_element_type3A_24 = arith.truncf %get3A_23 : vector<3x1024xf32> to vector<3x1024xbf16>
    %dot_general3A = arith.constant dense<0.000000e+00> : vector<256x1024xf32>
    %dot_general3A_25 = tpu.matmul %convert_element_type3A, %convert_element_type3A_24, %dot_general3A {dimension_numbers = #tpu.dot_dimension_numbers<[1], [0], [0], [1], [0, 0, 1, 1], [], []>, transpose_lhs_hint = false} : vector<256x3xbf16>, vector<3x1024xbf16>, vector<256x1024xf32> -> vector<256x1024xf32>
    %mul3A_26 = arith.constant 2.000000e+00 : f32
    %mul3A_27 = vector.broadcast %mul3A_26 : f32 to vector<256x1024xf32>
    %mul3A_28 = arith.mulf %mul3A_27, %dot_general3A_25 : vector<256x1024xf32>
    %sub3A = vector.broadcast %add3A_15 : vector<256x1xf32> to vector<256x1024xf32>
    %sub3A_29 = arith.subf %sub3A, %mul3A_28 : vector<256x1024xf32>
    %add3A_30 = vector.broadcast %add3A_20 : vector<1x1024xf32> to vector<256x1024xf32>
    %add3A_31 = arith.addf %sub3A_29, %add3A_30 : vector<256x1024xf32>
    %get3A_32 = arith.constant 0 : index
    %get3A_33 = arith.constant 0 : index
    %get3A_34 = vector.load %arg1[%get3A_32, %get3A_33] : memref<256x1xi32, #tpu.memory_space<vmem>>, vector<256x1xi32>
    %get3A_35 = arith.constant 0 : index
    %get3A_36 = arith.constant 0 : index
    %get3A_37 = vector.load %arg3[%get3A_35, %get3A_36] : memref<1x1024xi32, #tpu.memory_space<vmem>>, vector<1x1024xi32>
    %ne3A = vector.broadcast %get3A_34 : vector<256x1xi32> to vector<256x1024xi32>
    %ne3A_38 = vector.broadcast %get3A_37 : vector<1x1024xi32> to vector<256x1024xi32>
    %ne3A_39 = arith.cmpi ne, %ne3A, %ne3A_38 : vector<256x1024xi32>
    %jit3A = arith.constant 1.000000e+10 : f32
    %broadcast_in_dim3A = vector.broadcast %jit3A : f32 to vector<256x1024xf32>
    %select_n3A = arith.select %ne3A_39, %broadcast_in_dim3A, %add3A_31 : vector<256x1024xi1>, vector<256x1024xf32>
    %iota3A = tpu.iota {dimensions = array<i32: 1>} : vector<256x1024xi32>
    %reduce_min3A = arith.constant dense<0x7F800000> : vector<256xf32>
    %reduce_min3A_40 = vector.multi_reduction <minimumf>, %select_n3A, %reduce_min3A [1] : vector<256x1024xf32> to vector<256xf32>
    %broadcast_in_dim3A_41 = vector.shape_cast %reduce_min3A_40 : vector<256xf32> to vector<256x1xf32>
    %eq3A = vector.broadcast %broadcast_in_dim3A_41 : vector<256x1xf32> to vector<256x1024xf32>
    %eq3A_42 = arith.cmpf oeq, %select_n3A, %eq3A : vector<256x1024xf32>
    %jit3A_43 = arith.constant 1024 : i32
    %broadcast_in_dim3A_44 = vector.broadcast %jit3A_43 : i32 to vector<256x1024xi32>
    %select_n3A_45 = arith.select %eq3A_42, %iota3A, %broadcast_in_dim3A_44 : vector<256x1024xi1>, vector<256x1024xi32>
    %reduce_min3A_46 = arith.constant dense<2147483647> : vector<256xi32>
    %reduce_min3A_47 = vector.multi_reduction <minsi>, %select_n3A_45, %reduce_min3A_46 [1] : vector<256x1024xi32> to vector<256xi32>
    %broadcast_in_dim3A_48 = vector.shape_cast %reduce_min3A_47 : vector<256xi32> to vector<256x1xi32>
    %eq3A_49 = vector.broadcast %broadcast_in_dim3A_48 : vector<256x1xi32> to vector<256x1024xi32>
    %eq3A_50 = arith.cmpi eq, %iota3A, %eq3A_49 : vector<256x1024xi32>
    %jit3A_51 = arith.constant 1.000000e-16 : f32
    %max3A = vector.broadcast %jit3A_51 : f32 to vector<256x1xf32>
    %max3A_52 = arith.maximumf %max3A, %broadcast_in_dim3A_41 : vector<256x1xf32>
    %div3A = arith.constant 1.000000e+00 : f32
    %div3A_53 = vector.broadcast %div3A : f32 to vector<256x1xf32>
    %div3A_54 = arith.divf %div3A_53, %max3A_52 : vector<256x1xf32>
    %jit3A_55 = arith.constant 0.000000e+00 : f32
    %broadcast_in_dim3A_56 = vector.shape_cast %div3A_54 : vector<256x1xf32> to vector<256x1xf32>
    %broadcast_in_dim3A_57 = vector.broadcast %broadcast_in_dim3A_56 : vector<256x1xf32> to vector<256x1024xf32>
    %broadcast_in_dim3A_58 = vector.broadcast %jit3A_55 : f32 to vector<256x1024xf32>
    %select_n3A_59 = arith.select %eq3A_50, %broadcast_in_dim3A_57, %broadcast_in_dim3A_58 : vector<256x1024xi1>, vector<256x1024xf32>
    %jit3A_60 = arith.constant 1.000000e+30 : f32
    %broadcast_in_dim3A_61 = vector.broadcast %jit3A_60 : f32 to vector<256x1024xf32>
    %select_n3A_62 = arith.select %eq3A_50, %broadcast_in_dim3A_61, %select_n3A : vector<256x1024xi1>, vector<256x1024xf32>
    %reduce_min3A_63 = arith.constant dense<0x7F800000> : vector<256xf32>
    %reduce_min3A_64 = vector.multi_reduction <minimumf>, %select_n3A_62, %reduce_min3A_63 [1] : vector<256x1024xf32> to vector<256xf32>
    %broadcast_in_dim3A_65 = vector.shape_cast %reduce_min3A_64 : vector<256xf32> to vector<256x1xf32>
    %eq3A_66 = vector.broadcast %broadcast_in_dim3A_65 : vector<256x1xf32> to vector<256x1024xf32>
    %eq3A_67 = arith.cmpf oeq, %select_n3A_62, %eq3A_66 : vector<256x1024xf32>
    %jit3A_68 = arith.constant 1024 : i32
    %broadcast_in_dim3A_69 = vector.broadcast %jit3A_68 : i32 to vector<256x1024xi32>
    %select_n3A_70 = arith.select %eq3A_67, %iota3A, %broadcast_in_dim3A_69 : vector<256x1024xi1>, vector<256x1024xi32>
    %reduce_min3A_71 = arith.constant dense<2147483647> : vector<256xi32>
    %reduce_min3A_72 = vector.multi_reduction <minsi>, %select_n3A_70, %reduce_min3A_71 [1] : vector<256x1024xi32> to vector<256xi32>
    %broadcast_in_dim3A_73 = vector.shape_cast %reduce_min3A_72 : vector<256xi32> to vector<256x1xi32>
    %eq3A_74 = vector.broadcast %broadcast_in_dim3A_73 : vector<256x1xi32> to vector<256x1024xi32>
    %eq3A_75 = arith.cmpi eq, %iota3A, %eq3A_74 : vector<256x1024xi32>
    %jit3A_76 = arith.constant 1.000000e-16 : f32
    %max3A_77 = vector.broadcast %jit3A_76 : f32 to vector<256x1xf32>
    %max3A_78 = arith.maximumf %max3A_77, %broadcast_in_dim3A_65 : vector<256x1xf32>
    %div3A_79 = arith.constant 1.000000e+00 : f32
    %div3A_80 = vector.broadcast %div3A_79 : f32 to vector<256x1xf32>
    %div3A_81 = arith.divf %div3A_80, %max3A_78 : vector<256x1xf32>
    %jit3A_82 = arith.constant 0.000000e+00 : f32
    %broadcast_in_dim3A_83 = vector.shape_cast %div3A_81 : vector<256x1xf32> to vector<256x1xf32>
    %broadcast_in_dim3A_84 = vector.broadcast %broadcast_in_dim3A_83 : vector<256x1xf32> to vector<256x1024xf32>
    %broadcast_in_dim3A_85 = vector.broadcast %jit3A_82 : f32 to vector<256x1024xf32>
    %select_n3A_86 = arith.select %eq3A_75, %broadcast_in_dim3A_84, %broadcast_in_dim3A_85 : vector<256x1024xi1>, vector<256x1024xf32>
    %add3A_87 = arith.addf %select_n3A_59, %select_n3A_86 : vector<256x1024xf32>
    %add3A_88 = arith.addf %div3A_54, %div3A_81 : vector<256x1xf32>
    %jit3A_89 = arith.constant 1.000000e+30 : f32
    %broadcast_in_dim3A_90 = vector.broadcast %jit3A_89 : f32 to vector<256x1024xf32>
    %select_n3A_91 = arith.select %eq3A_75, %broadcast_in_dim3A_90, %select_n3A_62 : vector<256x1024xi1>, vector<256x1024xf32>
    %reduce_min3A_92 = arith.constant dense<0x7F800000> : vector<256xf32>
    %reduce_min3A_93 = vector.multi_reduction <minimumf>, %select_n3A_91, %reduce_min3A_92 [1] : vector<256x1024xf32> to vector<256xf32>
    %broadcast_in_dim3A_94 = vector.shape_cast %reduce_min3A_93 : vector<256xf32> to vector<256x1xf32>
    %eq3A_95 = vector.broadcast %broadcast_in_dim3A_94 : vector<256x1xf32> to vector<256x1024xf32>
    %eq3A_96 = arith.cmpf oeq, %select_n3A_91, %eq3A_95 : vector<256x1024xf32>
    %jit3A_97 = arith.constant 1024 : i32
    %broadcast_in_dim3A_98 = vector.broadcast %jit3A_97 : i32 to vector<256x1024xi32>
    %select_n3A_99 = arith.select %eq3A_96, %iota3A, %broadcast_in_dim3A_98 : vector<256x1024xi1>, vector<256x1024xi32>
    %reduce_min3A_100 = arith.constant dense<2147483647> : vector<256xi32>
    %reduce_min3A_101 = vector.multi_reduction <minsi>, %select_n3A_99, %reduce_min3A_100 [1] : vector<256x1024xi32> to vector<256xi32>
    %broadcast_in_dim3A_102 = vector.shape_cast %reduce_min3A_101 : vector<256xi32> to vector<256x1xi32>
    %eq3A_103 = vector.broadcast %broadcast_in_dim3A_102 : vector<256x1xi32> to vector<256x1024xi32>
    %eq3A_104 = arith.cmpi eq, %iota3A, %eq3A_103 : vector<256x1024xi32>
    %jit3A_105 = arith.constant 1.000000e-16 : f32
    %max3A_106 = vector.broadcast %jit3A_105 : f32 to vector<256x1xf32>
    %max3A_107 = arith.maximumf %max3A_106, %broadcast_in_dim3A_94 : vector<256x1xf32>
    %div3A_108 = arith.constant 1.000000e+00 : f32
    %div3A_109 = vector.broadcast %div3A_108 : f32 to vector<256x1xf32>
    %div3A_110 = arith.divf %div3A_109, %max3A_107 : vector<256x1xf32>
    %jit3A_111 = arith.constant 0.000000e+00 : f32
    %broadcast_in_dim3A_112 = vector.shape_cast %div3A_110 : vector<256x1xf32> to vector<256x1xf32>
    %broadcast_in_dim3A_113 = vector.broadcast %broadcast_in_dim3A_112 : vector<256x1xf32> to vector<256x1024xf32>
    %broadcast_in_dim3A_114 = vector.broadcast %jit3A_111 : f32 to vector<256x1024xf32>
    %select_n3A_115 = arith.select %eq3A_104, %broadcast_in_dim3A_113, %broadcast_in_dim3A_114 : vector<256x1024xi1>, vector<256x1024xf32>
    %add3A_116 = arith.addf %add3A_87, %select_n3A_115 : vector<256x1024xf32>
    %add3A_117 = arith.addf %add3A_88, %div3A_110 : vector<256x1xf32>
    %get3A_118 = arith.constant 0 : index
    %get3A_119 = arith.constant 0 : index
    %get3A_120 = vector.load %arg5[%get3A_118, %get3A_119] : memref<1024x1024xf32, #tpu.memory_space<vmem>>, vector<1024x1024xf32>
    %dot_general3A_121 = arith.constant dense<0.000000e+00> : vector<256x1024xf32>
    %dot_general3A_122 = tpu.matmul %add3A_116, %get3A_120, %dot_general3A_121 {dimension_numbers = #tpu.dot_dimension_numbers<[1], [0], [0], [1], [0, 0, 1, 1], [], []>, transpose_lhs_hint = false} : vector<256x1024xf32>, vector<1024x1024xf32>, vector<256x1024xf32> -> vector<256x1024xf32>
    %div3A_123 = vector.broadcast %add3A_117 : vector<256x1xf32> to vector<256x1024xf32>
    %div3A_124 = arith.divf %dot_general3A_122, %div3A_123 : vector<256x1024xf32>
    %get3A_125 = arith.constant 0 : index
    %get3A_126 = arith.constant 0 : index
    %get3A_127 = vector.load %arg6[%get3A_125, %get3A_126] : memref<1x1024xf32, #tpu.memory_space<vmem>>, vector<1x1024xf32>
    %mul3A_128 = arith.constant 9.765625E-4 : f32
    %mul3A_129 = vector.broadcast %mul3A_128 : f32 to vector<1x1024xf32>
    %mul3A_130 = arith.mulf %get3A_127, %mul3A_129 : vector<1x1024xf32>
    %get3A_131 = arith.constant 0 : index
    %get3A_132 = arith.constant 0 : index
    %get3A_133 = vector.load %arg7[%get3A_131, %get3A_132] : memref<1x1024xf32, #tpu.memory_space<vmem>>, vector<1x1024xf32>
    %mul3A_134 = arith.constant 9.765625E-4 : f32
    %mul3A_135 = vector.broadcast %mul3A_134 : f32 to vector<1x1024xf32>
    %mul3A_136 = arith.mulf %get3A_133, %mul3A_135 : vector<1x1024xf32>
    %mul3A_137 = arith.mulf %mul3A_130, %mul3A_130 : vector<1x1024xf32>
    %sub3A_138 = arith.subf %mul3A_136, %mul3A_137 : vector<1x1024xf32>
    %get3A_139 = arith.constant 0 : index
    %get3A_140 = arith.constant 0 : index
    %get3A_141 = vector.load %arg8[%get3A_139, %get3A_140] : memref<1x1024xf32, #tpu.memory_space<vmem>>, vector<1x1024xf32>
    %add3A_142 = arith.constant 9.99999974E-6 : f32
    %add3A_143 = vector.broadcast %add3A_142 : f32 to vector<1x1024xf32>
    %add3A_144 = arith.addf %sub3A_138, %add3A_143 : vector<1x1024xf32>
    %sqrt3A = math.sqrt %add3A_144 : vector<1x1024xf32>
    %div3A_145 = arith.divf %get3A_141, %sqrt3A : vector<1x1024xf32>
    %get3A_146 = arith.constant 0 : index
    %get3A_147 = arith.constant 0 : index
    %get3A_148 = vector.load %arg9[%get3A_146, %get3A_147] : memref<1x1024xf32, #tpu.memory_space<vmem>>, vector<1x1024xf32>
    %mul3A_149 = arith.mulf %mul3A_130, %div3A_145 : vector<1x1024xf32>
    %sub3A_150 = arith.subf %get3A_148, %mul3A_149 : vector<1x1024xf32>
    %mul3A_151 = vector.broadcast %div3A_145 : vector<1x1024xf32> to vector<256x1024xf32>
    %mul3A_152 = arith.mulf %div3A_124, %mul3A_151 : vector<256x1024xf32>
    %add3A_153 = vector.broadcast %sub3A_150 : vector<1x1024xf32> to vector<256x1024xf32>
    %add3A_154 = arith.addf %mul3A_152, %add3A_153 : vector<256x1024xf32>
    %convert_element_type3A_155 = arith.truncf %add3A_154 : vector<256x1024xf32> to vector<256x1024xbf16>
    %swap3A = arith.constant 0 : index
    %swap3A_156 = arith.constant 0 : index
    %swap3A_157 = vector.load %arg10[%swap3A, %swap3A_156] : memref<256x1024xbf16, #tpu.memory_space<vmem>>, vector<256x1024xbf16>
    tpu.vector_store %arg10[%swap3A, %swap3A_156], %convert_element_type3A_155 {strides = array<i32>} : memref<256x1024xbf16, #tpu.memory_space<vmem>>, vector<256x1024xbf16>,
    return
  }
  func.func @transform_0(%arg0: i32) -> (i32, i32) {
    %c0_i32 = arith.constant 0 : i32
    %c0_i32_0 = arith.constant 0 : i32
    return %arg0, %c0_i32 : i32, i32
  }
  func.func @transform_1(%arg0: i32) -> (i32, i32) {
    %c0_i32 = arith.constant 0 : i32
    %c0_i32_0 = arith.constant 0 : i32
    return %arg0, %c0_i32 : i32, i32
  }
  func.func @transform_2(%arg0: i32) -> (i32, i32) {
    %c0_i32 = arith.constant 0 : i32
    %c0_i32_0 = arith.constant 0 : i32
    %c0_i32_1 = arith.constant 0 : i32
    return %c0_i32, %c0_i32_0 : i32, i32
  }
  func.func @transform_3(%arg0: i32) -> (i32, i32) {
    %c0_i32 = arith.constant 0 : i32
    %c0_i32_0 = arith.constant 0 : i32
    %c0_i32_1 = arith.constant 0 : i32
    return %c0_i32, %c0_i32_0 : i32, i32
  }
  func.func @transform_4(%arg0: i32) -> (i32, i32) {
    %c0_i32 = arith.constant 0 : i32
    %c0_i32_0 = arith.constant 0 : i32
    %c0_i32_1 = arith.constant 0 : i32
    return %c0_i32, %c0_i32_0 : i32, i32
  }
  func.func @transform_5(%arg0: i32) -> (i32, i32) {
    %c0_i32 = arith.constant 0 : i32
    %c0_i32_0 = arith.constant 0 : i32
    %c0_i32_1 = arith.constant 0 : i32
    return %c0_i32, %c0_i32_0 : i32, i32
  }
  func.func @transform_6(%arg0: i32) -> (i32, i32) {
    %c0_i32 = arith.constant 0 : i32
    %c0_i32_0 = arith.constant 0 : i32
    %c0_i32_1 = arith.constant 0 : i32
    return %c0_i32, %c0_i32_0 : i32, i32
  }
  func.func @transform_7(%arg0: i32) -> (i32, i32) {
    %c0_i32 = arith.constant 0 : i32
    %c0_i32_0 = arith.constant 0 : i32
    %c0_i32_1 = arith.constant 0 : i32
    return %c0_i32, %c0_i32_0 : i32, i32
  }
  func.func @transform_8(%arg0: i32) -> (i32, i32) {
    %c0_i32 = arith.constant 0 : i32
    %c0_i32_0 = arith.constant 0 : i32
    %c0_i32_1 = arith.constant 0 : i32
    return %c0_i32, %c0_i32_0 : i32, i32
  }
  func.func @transform_9(%arg0: i32) -> (i32, i32) {
    %c0_i32 = arith.constant 0 : i32
    %c0_i32_0 = arith.constant 0 : i32
    return %arg0, %c0_i32 : i32, i32
  }
}

module attributes {stable_mosaic.version = 14 : i64} {
  func.func @_linear_body(%arg0: i32, %arg1: memref<512x1024xbf16, #tpu.memory_space<vmem>>, %arg2: memref<1536x1024xf32, #tpu.memory_space<vmem>>, %arg3: memref<1x1024xf32, #tpu.memory_space<vmem>>, %arg4: memref<512x512xf32, #tpu.memory_space<vmem>>, %arg5: memref<512x1024xf32, #tpu.memory_space<vmem>>, %arg6: memref<1x1024xf32, #tpu.memory_space<vmem>>, %arg7: memref<1x1024xf32, #tpu.memory_space<vmem>>) attributes {dimension_semantics = [#tpu.dimension_semantics<arbitrary>], iteration_bounds = array<i64: 8>, scalar_prefetch = 0 : i64, scratch_operands = 0 : i64, tpu.core_type = #tpu.core_type<tc>, window_params = [{transform_indices = @transform_0, window_bounds = array<i64: 512, 1024>}, {pipeline_mode = #tpu.pipeline_mode<synchronous>, transform_indices = @transform_1, window_bounds = array<i64: 1536, 1024>}, {pipeline_mode = #tpu.pipeline_mode<synchronous>, transform_indices = @transform_2, window_bounds = array<i64: 1, 1024>}, {transform_indices = @transform_3, window_bounds = array<i64: 512, 512>}, {transform_indices = @transform_4, window_bounds = array<i64: 512, 1024>}, {pipeline_mode = #tpu.pipeline_mode<synchronous>, transform_indices = @transform_5, window_bounds = array<i64: 1, 1024>}, {pipeline_mode = #tpu.pipeline_mode<synchronous>, transform_indices = @transform_6, window_bounds = array<i64: 1, 1024>}]} {
    %get3A = arith.constant 0 : index
    %get3A_0 = arith.constant 0 : index
    %get3A_1 = vector.load %arg1[%get3A, %get3A_0] : memref<512x1024xbf16, #tpu.memory_space<vmem>>, vector<512x1024xbf16>
    %get3A_2 = arith.constant 0 : index
    %get3A_3 = arith.constant 0 : index
    %get3A_4 = vector.load %arg2[%get3A_2, %get3A_3] : memref<1536x1024xf32, #tpu.memory_space<vmem>>, vector<1024x1024xf32>
    %convert_element_type3A = arith.truncf %get3A_4 : vector<1024x1024xf32> to vector<1024x1024xbf16>
    %dot_general3A = arith.constant dense<0.000000e+00> : vector<512x1024xf32>
    %dot_general3A_5 = tpu.matmul %get3A_1, %convert_element_type3A, %dot_general3A {dimension_numbers = #tpu.dot_dimension_numbers<[1], [0], [0], [1], [0, 0, 1, 1], [], []>, transpose_lhs_hint = false} : vector<512x1024xbf16>, vector<1024x1024xbf16>, vector<512x1024xf32> -> vector<512x1024xf32>
    %get3A_6 = arith.constant 0 : index
    %get3A_7 = arith.constant 0 : index
    %get3A_8 = vector.load %arg4[%get3A_6, %get3A_7] : memref<512x512xf32, #tpu.memory_space<vmem>>, vector<512x512xf32>
    %get3A_9 = arith.constant 1024 : index
    %get3A_10 = arith.constant 0 : index
    %get3A_11 = vector.load %arg2[%get3A_9, %get3A_10] : memref<1536x1024xf32, #tpu.memory_space<vmem>>, vector<512x1024xf32>
    %dot_general3A_12 = arith.constant dense<0.000000e+00> : vector<512x1024xf32>
    %dot_general3A_13 = tpu.matmul %get3A_8, %get3A_11, %dot_general3A_12 {dimension_numbers = #tpu.dot_dimension_numbers<[1], [0], [0], [1], [0, 0, 1, 1], [], []>, transpose_lhs_hint = false} : vector<512x512xf32>, vector<512x1024xf32>, vector<512x1024xf32> -> vector<512x1024xf32>
    %add3A = arith.addf %dot_general3A_5, %dot_general3A_13 : vector<512x1024xf32>
    %get3A_14 = arith.constant 0 : index
    %get3A_15 = arith.constant 0 : index
    %get3A_16 = vector.load %arg3[%get3A_14, %get3A_15] : memref<1x1024xf32, #tpu.memory_space<vmem>>, vector<1x1024xf32>
    %add3A_17 = vector.broadcast %get3A_16 : vector<1x1024xf32> to vector<512x1024xf32>
    %add3A_18 = arith.addf %add3A, %add3A_17 : vector<512x1024xf32>
    %max3A = arith.constant 0.000000e+00 : f32
    %max3A_19 = vector.broadcast %max3A : f32 to vector<512x1024xf32>
    %max3A_20 = arith.maximumf %add3A_18, %max3A_19 : vector<512x1024xf32>
    %swap3A = arith.constant 0 : index
    %swap3A_21 = arith.constant 0 : index
    %swap3A_22 = vector.load %arg5[%swap3A, %swap3A_21] : memref<512x1024xf32, #tpu.memory_space<vmem>>, vector<512x1024xf32>
    tpu.vector_store %arg5[%swap3A, %swap3A_21], %max3A_20 {strides = array<i32>} : memref<512x1024xf32, #tpu.memory_space<vmem>>, vector<512x1024xf32>,
    %reduce_sum3A = arith.constant dense<0.000000e+00> : vector<1024xf32>
    %reduce_sum3A_23 = vector.multi_reduction <add>, %max3A_20, %reduce_sum3A [0] : vector<512x1024xf32> to vector<1024xf32>
    %broadcast_in_dim3A = vector.shape_cast %reduce_sum3A_23 : vector<1024xf32> to vector<1x1024xf32>
    %mul3A = arith.mulf %max3A_20, %max3A_20 : vector<512x1024xf32>
    %reduce_sum3A_24 = arith.constant dense<0.000000e+00> : vector<1024xf32>
    %reduce_sum3A_25 = vector.multi_reduction <add>, %mul3A, %reduce_sum3A_24 [0] : vector<512x1024xf32> to vector<1024xf32>
    %broadcast_in_dim3A_26 = vector.shape_cast %reduce_sum3A_25 : vector<1024xf32> to vector<1x1024xf32>
    %eq3A = arith.constant 0 : i32
    %eq3A_27 = arith.cmpi eq, %arg0, %eq3A : i32
    %convert_element_type3A_28 = arith.extui %eq3A_27 : i1 to i32
    %cond3A = arith.constant 0 : i32
    %cond3A_29 = arith.cmpi ne, %convert_element_type3A_28, %cond3A : i32
    scf.if %cond3A_29 {
      %swap3A_34 = arith.constant 0 : index
      %swap3A_35 = arith.constant 0 : index
      %swap3A_36 = vector.load %arg6[%swap3A_34, %swap3A_35] : memref<1x1024xf32, #tpu.memory_space<vmem>>, vector<1x1024xf32>
      tpu.vector_store %arg6[%swap3A_34, %swap3A_35], %broadcast_in_dim3A {strides = array<i32>} : memref<1x1024xf32, #tpu.memory_space<vmem>>, vector<1x1024xf32>,
      %swap3A_37 = arith.constant 0 : index
      %swap3A_38 = arith.constant 0 : index
      %swap3A_39 = vector.load %arg7[%swap3A_37, %swap3A_38] : memref<1x1024xf32, #tpu.memory_space<vmem>>, vector<1x1024xf32>
      tpu.vector_store %arg7[%swap3A_37, %swap3A_38], %broadcast_in_dim3A_26 {strides = array<i32>} : memref<1x1024xf32, #tpu.memory_space<vmem>>, vector<1x1024xf32>,
    } else {
    }
    %gt3A = arith.constant 0 : i32
    %gt3A_30 = arith.cmpi sgt, %arg0, %gt3A : i32
    %convert_element_type3A_31 = arith.extui %gt3A_30 : i1 to i32
    %cond3A_32 = arith.constant 0 : i32
    %cond3A_33 = arith.cmpi ne, %convert_element_type3A_31, %cond3A_32 : i32
    scf.if %cond3A_33 {
      %get3A_34 = arith.constant 0 : index
      %get3A_35 = arith.constant 0 : index
      %get3A_36 = vector.load %arg6[%get3A_34, %get3A_35] : memref<1x1024xf32, #tpu.memory_space<vmem>>, vector<1x1024xf32>
      %add3A_37 = arith.addf %get3A_36, %broadcast_in_dim3A : vector<1x1024xf32>
      %swap3A_38 = arith.constant 0 : index
      %swap3A_39 = arith.constant 0 : index
      %swap3A_40 = vector.load %arg6[%swap3A_38, %swap3A_39] : memref<1x1024xf32, #tpu.memory_space<vmem>>, vector<1x1024xf32>
      tpu.vector_store %arg6[%swap3A_38, %swap3A_39], %add3A_37 {strides = array<i32>} : memref<1x1024xf32, #tpu.memory_space<vmem>>, vector<1x1024xf32>,
      %get3A_41 = arith.constant 0 : index
      %get3A_42 = arith.constant 0 : index
      %get3A_43 = vector.load %arg7[%get3A_41, %get3A_42] : memref<1x1024xf32, #tpu.memory_space<vmem>>, vector<1x1024xf32>
      %add3A_44 = arith.addf %get3A_43, %broadcast_in_dim3A_26 : vector<1x1024xf32>
      %swap3A_45 = arith.constant 0 : index
      %swap3A_46 = arith.constant 0 : index
      %swap3A_47 = vector.load %arg7[%swap3A_45, %swap3A_46] : memref<1x1024xf32, #tpu.memory_space<vmem>>, vector<1x1024xf32>
      tpu.vector_store %arg7[%swap3A_45, %swap3A_46], %add3A_44 {strides = array<i32>} : memref<1x1024xf32, #tpu.memory_space<vmem>>, vector<1x1024xf32>,
    } else {
    }
    return
  }
  func.func @transform_0(%arg0: i32) -> (i32, i32) {
    %c0_i32 = arith.constant 0 : i32
    %c0_i32_0 = arith.constant 0 : i32
    return %arg0, %c0_i32 : i32, i32
  }
  func.func @transform_1(%arg0: i32) -> (i32, i32) {
    %c0_i32 = arith.constant 0 : i32
    %c0_i32_0 = arith.constant 0 : i32
    %c0_i32_1 = arith.constant 0 : i32
    return %c0_i32, %c0_i32_0 : i32, i32
  }
  func.func @transform_2(%arg0: i32) -> (i32, i32) {
    %c0_i32 = arith.constant 0 : i32
    %c0_i32_0 = arith.constant 0 : i32
    %c0_i32_1 = arith.constant 0 : i32
    return %c0_i32, %c0_i32_0 : i32, i32
  }
  func.func @transform_3(%arg0: i32) -> (i32, i32) {
    %c0_i32 = arith.constant 0 : i32
    %c0_i32_0 = arith.constant 0 : i32
    return %arg0, %c0_i32 : i32, i32
  }
  func.func @transform_4(%arg0: i32) -> (i32, i32) {
    %c0_i32 = arith.constant 0 : i32
    %c0_i32_0 = arith.constant 0 : i32
    return %arg0, %c0_i32 : i32, i32
  }
  func.func @transform_5(%arg0: i32) -> (i32, i32) {
    %c0_i32 = arith.constant 0 : i32
    %c0_i32_0 = arith.constant 0 : i32
    %c0_i32_1 = arith.constant 0 : i32
    return %c0_i32, %c0_i32_0 : i32, i32
  }
  func.func @transform_6(%arg0: i32) -> (i32, i32) {
    %c0_i32 = arith.constant 0 : i32
    %c0_i32_0 = arith.constant 0 : i32
    %c0_i32_1 = arith.constant 0 : i32
    return %c0_i32, %c0_i32_0 : i32, i32
  }
}

module attributes {stable_mosaic.version = 14 : i64} {
  func.func @_linear_body(%arg0: i32, %arg1: memref<512x1024xf32, #tpu.memory_space<vmem>>, %arg2: memref<1024x1024xf32, #tpu.memory_space<vmem>>, %arg3: memref<1x1024xf32, #tpu.memory_space<vmem>>, %arg4: memref<1x1024xf32, #tpu.memory_space<vmem>>, %arg5: memref<1x1024xf32, #tpu.memory_space<vmem>>, %arg6: memref<1x1024xf32, #tpu.memory_space<vmem>>, %arg7: memref<1x1024xf32, #tpu.memory_space<vmem>>, %arg8: memref<512x1024xf32, #tpu.memory_space<vmem>>, %arg9: memref<1x1024xf32, #tpu.memory_space<vmem>>, %arg10: memref<1x1024xf32, #tpu.memory_space<vmem>>) attributes {dimension_semantics = [#tpu.dimension_semantics<arbitrary>], iteration_bounds = array<i64: 8>, scalar_prefetch = 0 : i64, scratch_operands = 0 : i64, tpu.core_type = #tpu.core_type<tc>, window_params = [{transform_indices = @transform_0, window_bounds = array<i64: 512, 1024>}, {pipeline_mode = #tpu.pipeline_mode<synchronous>, transform_indices = @transform_1, window_bounds = array<i64: 1024, 1024>}, {pipeline_mode = #tpu.pipeline_mode<synchronous>, transform_indices = @transform_2, window_bounds = array<i64: 1, 1024>}, {pipeline_mode = #tpu.pipeline_mode<synchronous>, transform_indices = @transform_3, window_bounds = array<i64: 1, 1024>}, {pipeline_mode = #tpu.pipeline_mode<synchronous>, transform_indices = @transform_4, window_bounds = array<i64: 1, 1024>}, {pipeline_mode = #tpu.pipeline_mode<synchronous>, transform_indices = @transform_5, window_bounds = array<i64: 1, 1024>}, {pipeline_mode = #tpu.pipeline_mode<synchronous>, transform_indices = @transform_6, window_bounds = array<i64: 1, 1024>}, {transform_indices = @transform_7, window_bounds = array<i64: 512, 1024>}, {pipeline_mode = #tpu.pipeline_mode<synchronous>, transform_indices = @transform_8, window_bounds = array<i64: 1, 1024>}, {pipeline_mode = #tpu.pipeline_mode<synchronous>, transform_indices = @transform_9, window_bounds = array<i64: 1, 1024>}]} {
    %get3A = arith.constant 0 : index
    %get3A_0 = arith.constant 0 : index
    %get3A_1 = vector.load %arg1[%get3A, %get3A_0] : memref<512x1024xf32, #tpu.memory_space<vmem>>, vector<512x1024xf32>
    %get3A_2 = arith.constant 0 : index
    %get3A_3 = arith.constant 0 : index
    %get3A_4 = vector.load %arg4[%get3A_2, %get3A_3] : memref<1x1024xf32, #tpu.memory_space<vmem>>, vector<1x1024xf32>
    %mul3A = arith.constant 2.44140625E-4 : f32
    %mul3A_5 = vector.broadcast %mul3A : f32 to vector<1x1024xf32>
    %mul3A_6 = arith.mulf %get3A_4, %mul3A_5 : vector<1x1024xf32>
    %get3A_7 = arith.constant 0 : index
    %get3A_8 = arith.constant 0 : index
    %get3A_9 = vector.load %arg5[%get3A_7, %get3A_8] : memref<1x1024xf32, #tpu.memory_space<vmem>>, vector<1x1024xf32>
    %mul3A_10 = arith.constant 2.44140625E-4 : f32
    %mul3A_11 = vector.broadcast %mul3A_10 : f32 to vector<1x1024xf32>
    %mul3A_12 = arith.mulf %get3A_9, %mul3A_11 : vector<1x1024xf32>
    %mul3A_13 = arith.mulf %mul3A_6, %mul3A_6 : vector<1x1024xf32>
    %sub3A = arith.subf %mul3A_12, %mul3A_13 : vector<1x1024xf32>
    %get3A_14 = arith.constant 0 : index
    %get3A_15 = arith.constant 0 : index
    %get3A_16 = vector.load %arg6[%get3A_14, %get3A_15] : memref<1x1024xf32, #tpu.memory_space<vmem>>, vector<1x1024xf32>
    %add3A = arith.constant 9.99999974E-6 : f32
    %add3A_17 = vector.broadcast %add3A : f32 to vector<1x1024xf32>
    %add3A_18 = arith.addf %sub3A, %add3A_17 : vector<1x1024xf32>
    %sqrt3A = math.sqrt %add3A_18 : vector<1x1024xf32>
    %div3A = arith.divf %get3A_16, %sqrt3A : vector<1x1024xf32>
    %get3A_19 = arith.constant 0 : index
    %get3A_20 = arith.constant 0 : index
    %get3A_21 = vector.load %arg7[%get3A_19, %get3A_20] : memref<1x1024xf32, #tpu.memory_space<vmem>>, vector<1x1024xf32>
    %mul3A_22 = arith.mulf %mul3A_6, %div3A : vector<1x1024xf32>
    %sub3A_23 = arith.subf %get3A_21, %mul3A_22 : vector<1x1024xf32>
    %mul3A_24 = vector.broadcast %div3A : vector<1x1024xf32> to vector<512x1024xf32>
    %mul3A_25 = arith.mulf %get3A_1, %mul3A_24 : vector<512x1024xf32>
    %add3A_26 = vector.broadcast %sub3A_23 : vector<1x1024xf32> to vector<512x1024xf32>
    %add3A_27 = arith.addf %mul3A_25, %add3A_26 : vector<512x1024xf32>
    %get3A_28 = arith.constant 0 : index
    %get3A_29 = arith.constant 0 : index
    %get3A_30 = vector.load %arg2[%get3A_28, %get3A_29] : memref<1024x1024xf32, #tpu.memory_space<vmem>>, vector<1024x1024xf32>
    %dot_general3A = arith.constant dense<0.000000e+00> : vector<512x1024xf32>
    %dot_general3A_31 = tpu.matmul %add3A_27, %get3A_30, %dot_general3A {dimension_numbers = #tpu.dot_dimension_numbers<[1], [0], [0], [1], [0, 0, 1, 1], [], []>, transpose_lhs_hint = false} : vector<512x1024xf32>, vector<1024x1024xf32>, vector<512x1024xf32> -> vector<512x1024xf32>
    %get3A_32 = arith.constant 0 : index
    %get3A_33 = arith.constant 0 : index
    %get3A_34 = vector.load %arg3[%get3A_32, %get3A_33] : memref<1x1024xf32, #tpu.memory_space<vmem>>, vector<1x1024xf32>
    %add3A_35 = vector.broadcast %get3A_34 : vector<1x1024xf32> to vector<512x1024xf32>
    %add3A_36 = arith.addf %dot_general3A_31, %add3A_35 : vector<512x1024xf32>
    %max3A = arith.constant 0.000000e+00 : f32
    %max3A_37 = vector.broadcast %max3A : f32 to vector<512x1024xf32>
    %max3A_38 = arith.maximumf %add3A_36, %max3A_37 : vector<512x1024xf32>
    %swap3A = arith.constant 0 : index
    %swap3A_39 = arith.constant 0 : index
    %swap3A_40 = vector.load %arg8[%swap3A, %swap3A_39] : memref<512x1024xf32, #tpu.memory_space<vmem>>, vector<512x1024xf32>
    tpu.vector_store %arg8[%swap3A, %swap3A_39], %max3A_38 {strides = array<i32>} : memref<512x1024xf32, #tpu.memory_space<vmem>>, vector<512x1024xf32>,
    %reduce_sum3A = arith.constant dense<0.000000e+00> : vector<1024xf32>
    %reduce_sum3A_41 = vector.multi_reduction <add>, %max3A_38, %reduce_sum3A [0] : vector<512x1024xf32> to vector<1024xf32>
    %broadcast_in_dim3A = vector.shape_cast %reduce_sum3A_41 : vector<1024xf32> to vector<1x1024xf32>
    %mul3A_42 = arith.mulf %max3A_38, %max3A_38 : vector<512x1024xf32>
    %reduce_sum3A_43 = arith.constant dense<0.000000e+00> : vector<1024xf32>
    %reduce_sum3A_44 = vector.multi_reduction <add>, %mul3A_42, %reduce_sum3A_43 [0] : vector<512x1024xf32> to vector<1024xf32>
    %broadcast_in_dim3A_45 = vector.shape_cast %reduce_sum3A_44 : vector<1024xf32> to vector<1x1024xf32>
    %eq3A = arith.constant 0 : i32
    %eq3A_46 = arith.cmpi eq, %arg0, %eq3A : i32
    %convert_element_type3A = arith.extui %eq3A_46 : i1 to i32
    %cond3A = arith.constant 0 : i32
    %cond3A_47 = arith.cmpi ne, %convert_element_type3A, %cond3A : i32
    scf.if %cond3A_47 {
      %swap3A_52 = arith.constant 0 : index
      %swap3A_53 = arith.constant 0 : index
      %swap3A_54 = vector.load %arg9[%swap3A_52, %swap3A_53] : memref<1x1024xf32, #tpu.memory_space<vmem>>, vector<1x1024xf32>
      tpu.vector_store %arg9[%swap3A_52, %swap3A_53], %broadcast_in_dim3A {strides = array<i32>} : memref<1x1024xf32, #tpu.memory_space<vmem>>, vector<1x1024xf32>,
      %swap3A_55 = arith.constant 0 : index
      %swap3A_56 = arith.constant 0 : index
      %swap3A_57 = vector.load %arg10[%swap3A_55, %swap3A_56] : memref<1x1024xf32, #tpu.memory_space<vmem>>, vector<1x1024xf32>
      tpu.vector_store %arg10[%swap3A_55, %swap3A_56], %broadcast_in_dim3A_45 {strides = array<i32>} : memref<1x1024xf32, #tpu.memory_space<vmem>>, vector<1x1024xf32>,
    } else {
    }
    %gt3A = arith.constant 0 : i32
    %gt3A_48 = arith.cmpi sgt, %arg0, %gt3A : i32
    %convert_element_type3A_49 = arith.extui %gt3A_48 : i1 to i32
    %cond3A_50 = arith.constant 0 : i32
    %cond3A_51 = arith.cmpi ne, %convert_element_type3A_49, %cond3A_50 : i32
    scf.if %cond3A_51 {
      %get3A_52 = arith.constant 0 : index
      %get3A_53 = arith.constant 0 : index
      %get3A_54 = vector.load %arg9[%get3A_52, %get3A_53] : memref<1x1024xf32, #tpu.memory_space<vmem>>, vector<1x1024xf32>
      %add3A_55 = arith.addf %get3A_54, %broadcast_in_dim3A : vector<1x1024xf32>
      %swap3A_56 = arith.constant 0 : index
      %swap3A_57 = arith.constant 0 : index
      %swap3A_58 = vector.load %arg9[%swap3A_56, %swap3A_57] : memref<1x1024xf32, #tpu.memory_space<vmem>>, vector<1x1024xf32>
      tpu.vector_store %arg9[%swap3A_56, %swap3A_57], %add3A_55 {strides = array<i32>} : memref<1x1024xf32, #tpu.memory_space<vmem>>, vector<1x1024xf32>,
      %get3A_59 = arith.constant 0 : index
      %get3A_60 = arith.constant 0 : index
      %get3A_61 = vector.load %arg10[%get3A_59, %get3A_60] : memref<1x1024xf32, #tpu.memory_space<vmem>>, vector<1x1024xf32>
      %add3A_62 = arith.addf %get3A_61, %broadcast_in_dim3A_45 : vector<1x1024xf32>
      %swap3A_63 = arith.constant 0 : index
      %swap3A_64 = arith.constant 0 : index
      %swap3A_65 = vector.load %arg10[%swap3A_63, %swap3A_64] : memref<1x1024xf32, #tpu.memory_space<vmem>>, vector<1x1024xf32>
      tpu.vector_store %arg10[%swap3A_63, %swap3A_64], %add3A_62 {strides = array<i32>} : memref<1x1024xf32, #tpu.memory_space<vmem>>, vector<1x1024xf32>,
    } else {
    }
    return
  }
  func.func @transform_0(%arg0: i32) -> (i32, i32) {
    %c0_i32 = arith.constant 0 : i32
    %c0_i32_0 = arith.constant 0 : i32
    return %arg0, %c0_i32 : i32, i32
  }
  func.func @transform_1(%arg0: i32) -> (i32, i32) {
    %c0_i32 = arith.constant 0 : i32
    %c0_i32_0 = arith.constant 0 : i32
    %c0_i32_1 = arith.constant 0 : i32
    return %c0_i32, %c0_i32_0 : i32, i32
  }
  func.func @transform_2(%arg0: i32) -> (i32, i32) {
    %c0_i32 = arith.constant 0 : i32
    %c0_i32_0 = arith.constant 0 : i32
    %c0_i32_1 = arith.constant 0 : i32
    return %c0_i32, %c0_i32_0 : i32, i32
  }
  func.func @transform_3(%arg0: i32) -> (i32, i32) {
    %c0_i32 = arith.constant 0 : i32
    %c0_i32_0 = arith.constant 0 : i32
    %c0_i32_1 = arith.constant 0 : i32
    return %c0_i32, %c0_i32_0 : i32, i32
  }
  func.func @transform_4(%arg0: i32) -> (i32, i32) {
    %c0_i32 = arith.constant 0 : i32
    %c0_i32_0 = arith.constant 0 : i32
    %c0_i32_1 = arith.constant 0 : i32
    return %c0_i32, %c0_i32_0 : i32, i32
  }
  func.func @transform_5(%arg0: i32) -> (i32, i32) {
    %c0_i32 = arith.constant 0 : i32
    %c0_i32_0 = arith.constant 0 : i32
    %c0_i32_1 = arith.constant 0 : i32
    return %c0_i32, %c0_i32_0 : i32, i32
  }
  func.func @transform_6(%arg0: i32) -> (i32, i32) {
    %c0_i32 = arith.constant 0 : i32
    %c0_i32_0 = arith.constant 0 : i32
    %c0_i32_1 = arith.constant 0 : i32
    return %c0_i32, %c0_i32_0 : i32, i32
  }
  func.func @transform_7(%arg0: i32) -> (i32, i32) {
    %c0_i32 = arith.constant 0 : i32
    %c0_i32_0 = arith.constant 0 : i32
    return %arg0, %c0_i32 : i32, i32
  }
  func.func @transform_8(%arg0: i32) -> (i32, i32) {
    %c0_i32 = arith.constant 0 : i32
    %c0_i32_0 = arith.constant 0 : i32
    %c0_i32_1 = arith.constant 0 : i32
    return %c0_i32, %c0_i32_0 : i32, i32
  }
  func.func @transform_9(%arg0: i32) -> (i32, i32) {
    %c0_i32 = arith.constant 0 : i32
    %c0_i32_0 = arith.constant 0 : i32
    %c0_i32_1 = arith.constant 0 : i32
    return %c0_i32, %c0_i32_0 : i32, i32
  }
}

module attributes {stable_mosaic.version = 14 : i64} {
  func.func @_linear_body(%arg0: i32, %arg1: memref<512x1024xf32, #tpu.memory_space<vmem>>, %arg2: memref<1088x1024xf32, #tpu.memory_space<vmem>>, %arg3: memref<1x1024xf32, #tpu.memory_space<vmem>>, %arg4: memref<512x64xf32, #tpu.memory_space<vmem>>, %arg5: memref<1x1024xf32, #tpu.memory_space<vmem>>, %arg6: memref<1x1024xf32, #tpu.memory_space<vmem>>, %arg7: memref<1x1024xf32, #tpu.memory_space<vmem>>, %arg8: memref<1x1024xf32, #tpu.memory_space<vmem>>, %arg9: memref<512x1024xf32, #tpu.memory_space<vmem>>, %arg10: memref<1x1024xf32, #tpu.memory_space<vmem>>, %arg11: memref<1x1024xf32, #tpu.memory_space<vmem>>) attributes {dimension_semantics = [#tpu.dimension_semantics<arbitrary>], iteration_bounds = array<i64: 32>, scalar_prefetch = 0 : i64, scratch_operands = 0 : i64, tpu.core_type = #tpu.core_type<tc>, window_params = [{transform_indices = @transform_0, window_bounds = array<i64: 512, 1024>}, {pipeline_mode = #tpu.pipeline_mode<synchronous>, transform_indices = @transform_1, window_bounds = array<i64: 1088, 1024>}, {pipeline_mode = #tpu.pipeline_mode<synchronous>, transform_indices = @transform_2, window_bounds = array<i64: 1, 1024>}, {transform_indices = @transform_3, window_bounds = array<i64: 512, 64>}, {pipeline_mode = #tpu.pipeline_mode<synchronous>, transform_indices = @transform_4, window_bounds = array<i64: 1, 1024>}, {pipeline_mode = #tpu.pipeline_mode<synchronous>, transform_indices = @transform_5, window_bounds = array<i64: 1, 1024>}, {pipeline_mode = #tpu.pipeline_mode<synchronous>, transform_indices = @transform_6, window_bounds = array<i64: 1, 1024>}, {pipeline_mode = #tpu.pipeline_mode<synchronous>, transform_indices = @transform_7, window_bounds = array<i64: 1, 1024>}, {transform_indices = @transform_8, window_bounds = array<i64: 512, 1024>}, {pipeline_mode = #tpu.pipeline_mode<synchronous>, transform_indices = @transform_9, window_bounds = array<i64: 1, 1024>}, {pipeline_mode = #tpu.pipeline_mode<synchronous>, transform_indices = @transform_10, window_bounds = array<i64: 1, 1024>}]} {
    %get3A = arith.constant 0 : index
    %get3A_0 = arith.constant 0 : index
    %get3A_1 = vector.load %arg1[%get3A, %get3A_0] : memref<512x1024xf32, #tpu.memory_space<vmem>>, vector<512x1024xf32>
    %get3A_2 = arith.constant 0 : index
    %get3A_3 = arith.constant 0 : index
    %get3A_4 = vector.load %arg5[%get3A_2, %get3A_3] : memref<1x1024xf32, #tpu.memory_space<vmem>>, vector<1x1024xf32>
    %mul3A = arith.constant 2.44140625E-4 : f32
    %mul3A_5 = vector.broadcast %mul3A : f32 to vector<1x1024xf32>
    %mul3A_6 = arith.mulf %get3A_4, %mul3A_5 : vector<1x1024xf32>
    %get3A_7 = arith.constant 0 : index
    %get3A_8 = arith.constant 0 : index
    %get3A_9 = vector.load %arg6[%get3A_7, %get3A_8] : memref<1x1024xf32, #tpu.memory_space<vmem>>, vector<1x1024xf32>
    %mul3A_10 = arith.constant 2.44140625E-4 : f32
    %mul3A_11 = vector.broadcast %mul3A_10 : f32 to vector<1x1024xf32>
    %mul3A_12 = arith.mulf %get3A_9, %mul3A_11 : vector<1x1024xf32>
    %mul3A_13 = arith.mulf %mul3A_6, %mul3A_6 : vector<1x1024xf32>
    %sub3A = arith.subf %mul3A_12, %mul3A_13 : vector<1x1024xf32>
    %get3A_14 = arith.constant 0 : index
    %get3A_15 = arith.constant 0 : index
    %get3A_16 = vector.load %arg7[%get3A_14, %get3A_15] : memref<1x1024xf32, #tpu.memory_space<vmem>>, vector<1x1024xf32>
    %add3A = arith.constant 9.99999974E-6 : f32
    %add3A_17 = vector.broadcast %add3A : f32 to vector<1x1024xf32>
    %add3A_18 = arith.addf %sub3A, %add3A_17 : vector<1x1024xf32>
    %sqrt3A = math.sqrt %add3A_18 : vector<1x1024xf32>
    %div3A = arith.divf %get3A_16, %sqrt3A : vector<1x1024xf32>
    %get3A_19 = arith.constant 0 : index
    %get3A_20 = arith.constant 0 : index
    %get3A_21 = vector.load %arg8[%get3A_19, %get3A_20] : memref<1x1024xf32, #tpu.memory_space<vmem>>, vector<1x1024xf32>
    %mul3A_22 = arith.mulf %mul3A_6, %div3A : vector<1x1024xf32>
    %sub3A_23 = arith.subf %get3A_21, %mul3A_22 : vector<1x1024xf32>
    %mul3A_24 = vector.broadcast %div3A : vector<1x1024xf32> to vector<512x1024xf32>
    %mul3A_25 = arith.mulf %get3A_1, %mul3A_24 : vector<512x1024xf32>
    %add3A_26 = vector.broadcast %sub3A_23 : vector<1x1024xf32> to vector<512x1024xf32>
    %add3A_27 = arith.addf %mul3A_25, %add3A_26 : vector<512x1024xf32>
    %get3A_28 = arith.constant 0 : index
    %get3A_29 = arith.constant 0 : index
    %get3A_30 = vector.load %arg2[%get3A_28, %get3A_29] : memref<1088x1024xf32, #tpu.memory_space<vmem>>, vector<1024x1024xf32>
    %dot_general3A = arith.constant dense<0.000000e+00> : vector<512x1024xf32>
    %dot_general3A_31 = tpu.matmul %add3A_27, %get3A_30, %dot_general3A {dimension_numbers = #tpu.dot_dimension_numbers<[1], [0], [0], [1], [0, 0, 1, 1], [], []>, transpose_lhs_hint = false} : vector<512x1024xf32>, vector<1024x1024xf32>, vector<512x1024xf32> -> vector<512x1024xf32>
    %get3A_32 = arith.constant 0 : index
    %get3A_33 = arith.constant 0 : index
    %get3A_34 = vector.load %arg4[%get3A_32, %get3A_33] : memref<512x64xf32, #tpu.memory_space<vmem>>, vector<512x64xf32>
    %get3A_35 = arith.constant 1024 : index
    %get3A_36 = arith.constant 0 : index
    %get3A_37 = vector.load %arg2[%get3A_35, %get3A_36] : memref<1088x1024xf32, #tpu.memory_space<vmem>>, vector<64x1024xf32>
    %dot_general3A_38 = arith.constant dense<0.000000e+00> : vector<512x1024xf32>
    %dot_general3A_39 = tpu.matmul %get3A_34, %get3A_37, %dot_general3A_38 {dimension_numbers = #tpu.dot_dimension_numbers<[1], [0], [0], [1], [0, 0, 1, 1], [], []>, transpose_lhs_hint = false} : vector<512x64xf32>, vector<64x1024xf32>, vector<512x1024xf32> -> vector<512x1024xf32>
    %add3A_40 = arith.addf %dot_general3A_31, %dot_general3A_39 : vector<512x1024xf32>
    %get3A_41 = arith.constant 0 : index
    %get3A_42 = arith.constant 0 : index
    %get3A_43 = vector.load %arg3[%get3A_41, %get3A_42] : memref<1x1024xf32, #tpu.memory_space<vmem>>, vector<1x1024xf32>
    %add3A_44 = vector.broadcast %get3A_43 : vector<1x1024xf32> to vector<512x1024xf32>
    %add3A_45 = arith.addf %add3A_40, %add3A_44 : vector<512x1024xf32>
    %max3A = arith.constant 0.000000e+00 : f32
    %max3A_46 = vector.broadcast %max3A : f32 to vector<512x1024xf32>
    %max3A_47 = arith.maximumf %add3A_45, %max3A_46 : vector<512x1024xf32>
    %swap3A = arith.constant 0 : index
    %swap3A_48 = arith.constant 0 : index
    %swap3A_49 = vector.load %arg9[%swap3A, %swap3A_48] : memref<512x1024xf32, #tpu.memory_space<vmem>>, vector<512x1024xf32>
    tpu.vector_store %arg9[%swap3A, %swap3A_48], %max3A_47 {strides = array<i32>} : memref<512x1024xf32, #tpu.memory_space<vmem>>, vector<512x1024xf32>,
    %reduce_sum3A = arith.constant dense<0.000000e+00> : vector<1024xf32>
    %reduce_sum3A_50 = vector.multi_reduction <add>, %max3A_47, %reduce_sum3A [0] : vector<512x1024xf32> to vector<1024xf32>
    %broadcast_in_dim3A = vector.shape_cast %reduce_sum3A_50 : vector<1024xf32> to vector<1x1024xf32>
    %mul3A_51 = arith.mulf %max3A_47, %max3A_47 : vector<512x1024xf32>
    %reduce_sum3A_52 = arith.constant dense<0.000000e+00> : vector<1024xf32>
    %reduce_sum3A_53 = vector.multi_reduction <add>, %mul3A_51, %reduce_sum3A_52 [0] : vector<512x1024xf32> to vector<1024xf32>
    %broadcast_in_dim3A_54 = vector.shape_cast %reduce_sum3A_53 : vector<1024xf32> to vector<1x1024xf32>
    %eq3A = arith.constant 0 : i32
    %eq3A_55 = arith.cmpi eq, %arg0, %eq3A : i32
    %convert_element_type3A = arith.extui %eq3A_55 : i1 to i32
    %cond3A = arith.constant 0 : i32
    %cond3A_56 = arith.cmpi ne, %convert_element_type3A, %cond3A : i32
    scf.if %cond3A_56 {
      %swap3A_61 = arith.constant 0 : index
      %swap3A_62 = arith.constant 0 : index
      %swap3A_63 = vector.load %arg10[%swap3A_61, %swap3A_62] : memref<1x1024xf32, #tpu.memory_space<vmem>>, vector<1x1024xf32>
      tpu.vector_store %arg10[%swap3A_61, %swap3A_62], %broadcast_in_dim3A {strides = array<i32>} : memref<1x1024xf32, #tpu.memory_space<vmem>>, vector<1x1024xf32>,
      %swap3A_64 = arith.constant 0 : index
      %swap3A_65 = arith.constant 0 : index
      %swap3A_66 = vector.load %arg11[%swap3A_64, %swap3A_65] : memref<1x1024xf32, #tpu.memory_space<vmem>>, vector<1x1024xf32>
      tpu.vector_store %arg11[%swap3A_64, %swap3A_65], %broadcast_in_dim3A_54 {strides = array<i32>} : memref<1x1024xf32, #tpu.memory_space<vmem>>, vector<1x1024xf32>,
    } else {
    }
    %gt3A = arith.constant 0 : i32
    %gt3A_57 = arith.cmpi sgt, %arg0, %gt3A : i32
    %convert_element_type3A_58 = arith.extui %gt3A_57 : i1 to i32
    %cond3A_59 = arith.constant 0 : i32
    %cond3A_60 = arith.cmpi ne, %convert_element_type3A_58, %cond3A_59 : i32
    scf.if %cond3A_60 {
      %get3A_61 = arith.constant 0 : index
      %get3A_62 = arith.constant 0 : index
      %get3A_63 = vector.load %arg10[%get3A_61, %get3A_62] : memref<1x1024xf32, #tpu.memory_space<vmem>>, vector<1x1024xf32>
      %add3A_64 = arith.addf %get3A_63, %broadcast_in_dim3A : vector<1x1024xf32>
      %swap3A_65 = arith.constant 0 : index
      %swap3A_66 = arith.constant 0 : index
      %swap3A_67 = vector.load %arg10[%swap3A_65, %swap3A_66] : memref<1x1024xf32, #tpu.memory_space<vmem>>, vector<1x1024xf32>
      tpu.vector_store %arg10[%swap3A_65, %swap3A_66], %add3A_64 {strides = array<i32>} : memref<1x1024xf32, #tpu.memory_space<vmem>>, vector<1x1024xf32>,
      %get3A_68 = arith.constant 0 : index
      %get3A_69 = arith.constant 0 : index
      %get3A_70 = vector.load %arg11[%get3A_68, %get3A_69] : memref<1x1024xf32, #tpu.memory_space<vmem>>, vector<1x1024xf32>
      %add3A_71 = arith.addf %get3A_70, %broadcast_in_dim3A_54 : vector<1x1024xf32>
      %swap3A_72 = arith.constant 0 : index
      %swap3A_73 = arith.constant 0 : index
      %swap3A_74 = vector.load %arg11[%swap3A_72, %swap3A_73] : memref<1x1024xf32, #tpu.memory_space<vmem>>, vector<1x1024xf32>
      tpu.vector_store %arg11[%swap3A_72, %swap3A_73], %add3A_71 {strides = array<i32>} : memref<1x1024xf32, #tpu.memory_space<vmem>>, vector<1x1024xf32>,
    } else {
    }
    return
  }
  func.func @transform_0(%arg0: i32) -> (i32, i32) {
    %c0_i32 = arith.constant 0 : i32
    %c0_i32_0 = arith.constant 0 : i32
    return %arg0, %c0_i32 : i32, i32
  }
  func.func @transform_1(%arg0: i32) -> (i32, i32) {
    %c0_i32 = arith.constant 0 : i32
    %c0_i32_0 = arith.constant 0 : i32
    %c0_i32_1 = arith.constant 0 : i32
    return %c0_i32, %c0_i32_0 : i32, i32
  }
  func.func @transform_2(%arg0: i32) -> (i32, i32) {
    %c0_i32 = arith.constant 0 : i32
    %c0_i32_0 = arith.constant 0 : i32
    %c0_i32_1 = arith.constant 0 : i32
    return %c0_i32, %c0_i32_0 : i32, i32
  }
  func.func @transform_3(%arg0: i32) -> (i32, i32) {
    %c0_i32 = arith.constant 0 : i32
    %c0_i32_0 = arith.constant 0 : i32
    return %arg0, %c0_i32 : i32, i32
  }
  func.func @transform_4(%arg0: i32) -> (i32, i32) {
    %c0_i32 = arith.constant 0 : i32
    %c0_i32_0 = arith.constant 0 : i32
    %c0_i32_1 = arith.constant 0 : i32
    return %c0_i32, %c0_i32_0 : i32, i32
  }
  func.func @transform_5(%arg0: i32) -> (i32, i32) {
    %c0_i32 = arith.constant 0 : i32
    %c0_i32_0 = arith.constant 0 : i32
    %c0_i32_1 = arith.constant 0 : i32
    return %c0_i32, %c0_i32_0 : i32, i32
  }
  func.func @transform_6(%arg0: i32) -> (i32, i32) {
    %c0_i32 = arith.constant 0 : i32
    %c0_i32_0 = arith.constant 0 : i32
    %c0_i32_1 = arith.constant 0 : i32
    return %c0_i32, %c0_i32_0 : i32, i32
  }
  func.func @transform_7(%arg0: i32) -> (i32, i32) {
    %c0_i32 = arith.constant 0 : i32
    %c0_i32_0 = arith.constant 0 : i32
    %c0_i32_1 = arith.constant 0 : i32
    return %c0_i32, %c0_i32_0 : i32, i32
  }
  func.func @transform_8(%arg0: i32) -> (i32, i32) {
    %c0_i32 = arith.constant 0 : i32
    %c0_i32_0 = arith.constant 0 : i32
    return %arg0, %c0_i32 : i32, i32
  }
  func.func @transform_9(%arg0: i32) -> (i32, i32) {
    %c0_i32 = arith.constant 0 : i32
    %c0_i32_0 = arith.constant 0 : i32
    %c0_i32_1 = arith.constant 0 : i32
    return %c0_i32, %c0_i32_0 : i32, i32
  }
  func.func @transform_10(%arg0: i32) -> (i32, i32) {
    %c0_i32 = arith.constant 0 : i32
    %c0_i32_0 = arith.constant 0 : i32
    %c0_i32_1 = arith.constant 0 : i32
    return %c0_i32, %c0_i32_0 : i32, i32
  }
}

module attributes {stable_mosaic.version = 14 : i64} {
  func.func @_linear_body(%arg0: i32, %arg1: memref<512x1024xf32, #tpu.memory_space<vmem>>, %arg2: memref<1024x1024xf32, #tpu.memory_space<vmem>>, %arg3: memref<1x1024xf32, #tpu.memory_space<vmem>>, %arg4: memref<1x1024xf32, #tpu.memory_space<vmem>>, %arg5: memref<1x1024xf32, #tpu.memory_space<vmem>>, %arg6: memref<1x1024xf32, #tpu.memory_space<vmem>>, %arg7: memref<1x1024xf32, #tpu.memory_space<vmem>>, %arg8: memref<512x1024xf32, #tpu.memory_space<vmem>>, %arg9: memref<1x1024xf32, #tpu.memory_space<vmem>>, %arg10: memref<1x1024xf32, #tpu.memory_space<vmem>>) attributes {dimension_semantics = [#tpu.dimension_semantics<arbitrary>], iteration_bounds = array<i64: 32>, scalar_prefetch = 0 : i64, scratch_operands = 0 : i64, tpu.core_type = #tpu.core_type<tc>, window_params = [{transform_indices = @transform_0, window_bounds = array<i64: 512, 1024>}, {pipeline_mode = #tpu.pipeline_mode<synchronous>, transform_indices = @transform_1, window_bounds = array<i64: 1024, 1024>}, {pipeline_mode = #tpu.pipeline_mode<synchronous>, transform_indices = @transform_2, window_bounds = array<i64: 1, 1024>}, {pipeline_mode = #tpu.pipeline_mode<synchronous>, transform_indices = @transform_3, window_bounds = array<i64: 1, 1024>}, {pipeline_mode = #tpu.pipeline_mode<synchronous>, transform_indices = @transform_4, window_bounds = array<i64: 1, 1024>}, {pipeline_mode = #tpu.pipeline_mode<synchronous>, transform_indices = @transform_5, window_bounds = array<i64: 1, 1024>}, {pipeline_mode = #tpu.pipeline_mode<synchronous>, transform_indices = @transform_6, window_bounds = array<i64: 1, 1024>}, {transform_indices = @transform_7, window_bounds = array<i64: 512, 1024>}, {pipeline_mode = #tpu.pipeline_mode<synchronous>, transform_indices = @transform_8, window_bounds = array<i64: 1, 1024>}, {pipeline_mode = #tpu.pipeline_mode<synchronous>, transform_indices = @transform_9, window_bounds = array<i64: 1, 1024>}]} {
    %get3A = arith.constant 0 : index
    %get3A_0 = arith.constant 0 : index
    %get3A_1 = vector.load %arg1[%get3A, %get3A_0] : memref<512x1024xf32, #tpu.memory_space<vmem>>, vector<512x1024xf32>
    %get3A_2 = arith.constant 0 : index
    %get3A_3 = arith.constant 0 : index
    %get3A_4 = vector.load %arg4[%get3A_2, %get3A_3] : memref<1x1024xf32, #tpu.memory_space<vmem>>, vector<1x1024xf32>
    %mul3A = arith.constant 6.10351563E-5 : f32
    %mul3A_5 = vector.broadcast %mul3A : f32 to vector<1x1024xf32>
    %mul3A_6 = arith.mulf %get3A_4, %mul3A_5 : vector<1x1024xf32>
    %get3A_7 = arith.constant 0 : index
    %get3A_8 = arith.constant 0 : index
    %get3A_9 = vector.load %arg5[%get3A_7, %get3A_8] : memref<1x1024xf32, #tpu.memory_space<vmem>>, vector<1x1024xf32>
    %mul3A_10 = arith.constant 6.10351563E-5 : f32
    %mul3A_11 = vector.broadcast %mul3A_10 : f32 to vector<1x1024xf32>
    %mul3A_12 = arith.mulf %get3A_9, %mul3A_11 : vector<1x1024xf32>
    %mul3A_13 = arith.mulf %mul3A_6, %mul3A_6 : vector<1x1024xf32>
    %sub3A = arith.subf %mul3A_12, %mul3A_13 : vector<1x1024xf32>
    %get3A_14 = arith.constant 0 : index
    %get3A_15 = arith.constant 0 : index
    %get3A_16 = vector.load %arg6[%get3A_14, %get3A_15] : memref<1x1024xf32, #tpu.memory_space<vmem>>, vector<1x1024xf32>
    %add3A = arith.constant 9.99999974E-6 : f32
    %add3A_17 = vector.broadcast %add3A : f32 to vector<1x1024xf32>
    %add3A_18 = arith.addf %sub3A, %add3A_17 : vector<1x1024xf32>
    %sqrt3A = math.sqrt %add3A_18 : vector<1x1024xf32>
    %div3A = arith.divf %get3A_16, %sqrt3A : vector<1x1024xf32>
    %get3A_19 = arith.constant 0 : index
    %get3A_20 = arith.constant 0 : index
    %get3A_21 = vector.load %arg7[%get3A_19, %get3A_20] : memref<1x1024xf32, #tpu.memory_space<vmem>>, vector<1x1024xf32>
    %mul3A_22 = arith.mulf %mul3A_6, %div3A : vector<1x1024xf32>
    %sub3A_23 = arith.subf %get3A_21, %mul3A_22 : vector<1x1024xf32>
    %mul3A_24 = vector.broadcast %div3A : vector<1x1024xf32> to vector<512x1024xf32>
    %mul3A_25 = arith.mulf %get3A_1, %mul3A_24 : vector<512x1024xf32>
    %add3A_26 = vector.broadcast %sub3A_23 : vector<1x1024xf32> to vector<512x1024xf32>
    %add3A_27 = arith.addf %mul3A_25, %add3A_26 : vector<512x1024xf32>
    %get3A_28 = arith.constant 0 : index
    %get3A_29 = arith.constant 0 : index
    %get3A_30 = vector.load %arg2[%get3A_28, %get3A_29] : memref<1024x1024xf32, #tpu.memory_space<vmem>>, vector<1024x1024xf32>
    %dot_general3A = arith.constant dense<0.000000e+00> : vector<512x1024xf32>
    %dot_general3A_31 = tpu.matmul %add3A_27, %get3A_30, %dot_general3A {dimension_numbers = #tpu.dot_dimension_numbers<[1], [0], [0], [1], [0, 0, 1, 1], [], []>, transpose_lhs_hint = false} : vector<512x1024xf32>, vector<1024x1024xf32>, vector<512x1024xf32> -> vector<512x1024xf32>
    %get3A_32 = arith.constant 0 : index
    %get3A_33 = arith.constant 0 : index
    %get3A_34 = vector.load %arg3[%get3A_32, %get3A_33] : memref<1x1024xf32, #tpu.memory_space<vmem>>, vector<1x1024xf32>
    %add3A_35 = vector.broadcast %get3A_34 : vector<1x1024xf32> to vector<512x1024xf32>
    %add3A_36 = arith.addf %dot_general3A_31, %add3A_35 : vector<512x1024xf32>
    %max3A = arith.constant 0.000000e+00 : f32
    %max3A_37 = vector.broadcast %max3A : f32 to vector<512x1024xf32>
    %max3A_38 = arith.maximumf %add3A_36, %max3A_37 : vector<512x1024xf32>
    %swap3A = arith.constant 0 : index
    %swap3A_39 = arith.constant 0 : index
    %swap3A_40 = vector.load %arg8[%swap3A, %swap3A_39] : memref<512x1024xf32, #tpu.memory_space<vmem>>, vector<512x1024xf32>
    tpu.vector_store %arg8[%swap3A, %swap3A_39], %max3A_38 {strides = array<i32>} : memref<512x1024xf32, #tpu.memory_space<vmem>>, vector<512x1024xf32>,
    %reduce_sum3A = arith.constant dense<0.000000e+00> : vector<1024xf32>
    %reduce_sum3A_41 = vector.multi_reduction <add>, %max3A_38, %reduce_sum3A [0] : vector<512x1024xf32> to vector<1024xf32>
    %broadcast_in_dim3A = vector.shape_cast %reduce_sum3A_41 : vector<1024xf32> to vector<1x1024xf32>
    %mul3A_42 = arith.mulf %max3A_38, %max3A_38 : vector<512x1024xf32>
    %reduce_sum3A_43 = arith.constant dense<0.000000e+00> : vector<1024xf32>
    %reduce_sum3A_44 = vector.multi_reduction <add>, %mul3A_42, %reduce_sum3A_43 [0] : vector<512x1024xf32> to vector<1024xf32>
    %broadcast_in_dim3A_45 = vector.shape_cast %reduce_sum3A_44 : vector<1024xf32> to vector<1x1024xf32>
    %eq3A = arith.constant 0 : i32
    %eq3A_46 = arith.cmpi eq, %arg0, %eq3A : i32
    %convert_element_type3A = arith.extui %eq3A_46 : i1 to i32
    %cond3A = arith.constant 0 : i32
    %cond3A_47 = arith.cmpi ne, %convert_element_type3A, %cond3A : i32
    scf.if %cond3A_47 {
      %swap3A_52 = arith.constant 0 : index
      %swap3A_53 = arith.constant 0 : index
      %swap3A_54 = vector.load %arg9[%swap3A_52, %swap3A_53] : memref<1x1024xf32, #tpu.memory_space<vmem>>, vector<1x1024xf32>
      tpu.vector_store %arg9[%swap3A_52, %swap3A_53], %broadcast_in_dim3A {strides = array<i32>} : memref<1x1024xf32, #tpu.memory_space<vmem>>, vector<1x1024xf32>,
      %swap3A_55 = arith.constant 0 : index
      %swap3A_56 = arith.constant 0 : index
      %swap3A_57 = vector.load %arg10[%swap3A_55, %swap3A_56] : memref<1x1024xf32, #tpu.memory_space<vmem>>, vector<1x1024xf32>
      tpu.vector_store %arg10[%swap3A_55, %swap3A_56], %broadcast_in_dim3A_45 {strides = array<i32>} : memref<1x1024xf32, #tpu.memory_space<vmem>>, vector<1x1024xf32>,
    } else {
    }
    %gt3A = arith.constant 0 : i32
    %gt3A_48 = arith.cmpi sgt, %arg0, %gt3A : i32
    %convert_element_type3A_49 = arith.extui %gt3A_48 : i1 to i32
    %cond3A_50 = arith.constant 0 : i32
    %cond3A_51 = arith.cmpi ne, %convert_element_type3A_49, %cond3A_50 : i32
    scf.if %cond3A_51 {
      %get3A_52 = arith.constant 0 : index
      %get3A_53 = arith.constant 0 : index
      %get3A_54 = vector.load %arg9[%get3A_52, %get3A_53] : memref<1x1024xf32, #tpu.memory_space<vmem>>, vector<1x1024xf32>
      %add3A_55 = arith.addf %get3A_54, %broadcast_in_dim3A : vector<1x1024xf32>
      %swap3A_56 = arith.constant 0 : index
      %swap3A_57 = arith.constant 0 : index
      %swap3A_58 = vector.load %arg9[%swap3A_56, %swap3A_57] : memref<1x1024xf32, #tpu.memory_space<vmem>>, vector<1x1024xf32>
      tpu.vector_store %arg9[%swap3A_56, %swap3A_57], %add3A_55 {strides = array<i32>} : memref<1x1024xf32, #tpu.memory_space<vmem>>, vector<1x1024xf32>,
      %get3A_59 = arith.constant 0 : index
      %get3A_60 = arith.constant 0 : index
      %get3A_61 = vector.load %arg10[%get3A_59, %get3A_60] : memref<1x1024xf32, #tpu.memory_space<vmem>>, vector<1x1024xf32>
      %add3A_62 = arith.addf %get3A_61, %broadcast_in_dim3A_45 : vector<1x1024xf32>
      %swap3A_63 = arith.constant 0 : index
      %swap3A_64 = arith.constant 0 : index
      %swap3A_65 = vector.load %arg10[%swap3A_63, %swap3A_64] : memref<1x1024xf32, #tpu.memory_space<vmem>>, vector<1x1024xf32>
      tpu.vector_store %arg10[%swap3A_63, %swap3A_64], %add3A_62 {strides = array<i32>} : memref<1x1024xf32, #tpu.memory_space<vmem>>, vector<1x1024xf32>,
    } else {
    }
    return
  }
  func.func @transform_0(%arg0: i32) -> (i32, i32) {
    %c0_i32 = arith.constant 0 : i32
    %c0_i32_0 = arith.constant 0 : i32
    return %arg0, %c0_i32 : i32, i32
  }
  func.func @transform_1(%arg0: i32) -> (i32, i32) {
    %c0_i32 = arith.constant 0 : i32
    %c0_i32_0 = arith.constant 0 : i32
    %c0_i32_1 = arith.constant 0 : i32
    return %c0_i32, %c0_i32_0 : i32, i32
  }
  func.func @transform_2(%arg0: i32) -> (i32, i32) {
    %c0_i32 = arith.constant 0 : i32
    %c0_i32_0 = arith.constant 0 : i32
    %c0_i32_1 = arith.constant 0 : i32
    return %c0_i32, %c0_i32_0 : i32, i32
  }
  func.func @transform_3(%arg0: i32) -> (i32, i32) {
    %c0_i32 = arith.constant 0 : i32
    %c0_i32_0 = arith.constant 0 : i32
    %c0_i32_1 = arith.constant 0 : i32
    return %c0_i32, %c0_i32_0 : i32, i32
  }
  func.func @transform_4(%arg0: i32) -> (i32, i32) {
    %c0_i32 = arith.constant 0 : i32
    %c0_i32_0 = arith.constant 0 : i32
    %c0_i32_1 = arith.constant 0 : i32
    return %c0_i32, %c0_i32_0 : i32, i32
  }
  func.func @transform_5(%arg0: i32) -> (i32, i32) {
    %c0_i32 = arith.constant 0 : i32
    %c0_i32_0 = arith.constant 0 : i32
    %c0_i32_1 = arith.constant 0 : i32
    return %c0_i32, %c0_i32_0 : i32, i32
  }
  func.func @transform_6(%arg0: i32) -> (i32, i32) {
    %c0_i32 = arith.constant 0 : i32
    %c0_i32_0 = arith.constant 0 : i32
    %c0_i32_1 = arith.constant 0 : i32
    return %c0_i32, %c0_i32_0 : i32, i32
  }
  func.func @transform_7(%arg0: i32) -> (i32, i32) {
    %c0_i32 = arith.constant 0 : i32
    %c0_i32_0 = arith.constant 0 : i32
    return %arg0, %c0_i32 : i32, i32
  }
  func.func @transform_8(%arg0: i32) -> (i32, i32) {
    %c0_i32 = arith.constant 0 : i32
    %c0_i32_0 = arith.constant 0 : i32
    %c0_i32_1 = arith.constant 0 : i32
    return %c0_i32, %c0_i32_0 : i32, i32
  }
  func.func @transform_9(%arg0: i32) -> (i32, i32) {
    %c0_i32 = arith.constant 0 : i32
    %c0_i32_0 = arith.constant 0 : i32
    %c0_i32_1 = arith.constant 0 : i32
    return %c0_i32, %c0_i32_0 : i32, i32
  }
}

module attributes {stable_mosaic.version = 14 : i64} {
  func.func @_bn_apply_body(%arg0: i32, %arg1: memref<2048x1024xf32, #tpu.memory_space<vmem>>, %arg2: memref<1x1024xf32, #tpu.memory_space<vmem>>, %arg3: memref<1x1024xf32, #tpu.memory_space<vmem>>, %arg4: memref<1x1024xf32, #tpu.memory_space<vmem>>, %arg5: memref<1x1024xf32, #tpu.memory_space<vmem>>, %arg6: memref<2048x1024xf32, #tpu.memory_space<vmem>>) attributes {dimension_semantics = [#tpu.dimension_semantics<arbitrary>], iteration_bounds = array<i64: 8>, scalar_prefetch = 0 : i64, scratch_operands = 0 : i64, tpu.core_type = #tpu.core_type<tc>, window_params = [{transform_indices = @transform_0, window_bounds = array<i64: 2048, 1024>}, {pipeline_mode = #tpu.pipeline_mode<synchronous>, transform_indices = @transform_1, window_bounds = array<i64: 1, 1024>}, {pipeline_mode = #tpu.pipeline_mode<synchronous>, transform_indices = @transform_2, window_bounds = array<i64: 1, 1024>}, {pipeline_mode = #tpu.pipeline_mode<synchronous>, transform_indices = @transform_3, window_bounds = array<i64: 1, 1024>}, {pipeline_mode = #tpu.pipeline_mode<synchronous>, transform_indices = @transform_4, window_bounds = array<i64: 1, 1024>}, {transform_indices = @transform_5, window_bounds = array<i64: 2048, 1024>}]} {
    %get3A = arith.constant 0 : index
    %get3A_0 = arith.constant 0 : index
    %get3A_1 = vector.load %arg2[%get3A, %get3A_0] : memref<1x1024xf32, #tpu.memory_space<vmem>>, vector<1x1024xf32>
    %mul3A = arith.constant 6.10351563E-5 : f32
    %mul3A_2 = vector.broadcast %mul3A : f32 to vector<1x1024xf32>
    %mul3A_3 = arith.mulf %get3A_1, %mul3A_2 : vector<1x1024xf32>
    %get3A_4 = arith.constant 0 : index
    %get3A_5 = arith.constant 0 : index
    %get3A_6 = vector.load %arg3[%get3A_4, %get3A_5] : memref<1x1024xf32, #tpu.memory_space<vmem>>, vector<1x1024xf32>
    %mul3A_7 = arith.constant 6.10351563E-5 : f32
    %mul3A_8 = vector.broadcast %mul3A_7 : f32 to vector<1x1024xf32>
    %mul3A_9 = arith.mulf %get3A_6, %mul3A_8 : vector<1x1024xf32>
    %mul3A_10 = arith.mulf %mul3A_3, %mul3A_3 : vector<1x1024xf32>
    %sub3A = arith.subf %mul3A_9, %mul3A_10 : vector<1x1024xf32>
    %get3A_11 = arith.constant 0 : index
    %get3A_12 = arith.constant 0 : index
    %get3A_13 = vector.load %arg4[%get3A_11, %get3A_12] : memref<1x1024xf32, #tpu.memory_space<vmem>>, vector<1x1024xf32>
    %add3A = arith.constant 9.99999974E-6 : f32
    %add3A_14 = vector.broadcast %add3A : f32 to vector<1x1024xf32>
    %add3A_15 = arith.addf %sub3A, %add3A_14 : vector<1x1024xf32>
    %sqrt3A = math.sqrt %add3A_15 : vector<1x1024xf32>
    %div3A = arith.divf %get3A_13, %sqrt3A : vector<1x1024xf32>
    %get3A_16 = arith.constant 0 : index
    %get3A_17 = arith.constant 0 : index
    %get3A_18 = vector.load %arg5[%get3A_16, %get3A_17] : memref<1x1024xf32, #tpu.memory_space<vmem>>, vector<1x1024xf32>
    %mul3A_19 = arith.mulf %mul3A_3, %div3A : vector<1x1024xf32>
    %sub3A_20 = arith.subf %get3A_18, %mul3A_19 : vector<1x1024xf32>
    %get3A_21 = arith.constant 0 : index
    %get3A_22 = arith.constant 0 : index
    %get3A_23 = vector.load %arg1[%get3A_21, %get3A_22] : memref<2048x1024xf32, #tpu.memory_space<vmem>>, vector<2048x1024xf32>
    %mul3A_24 = vector.broadcast %div3A : vector<1x1024xf32> to vector<2048x1024xf32>
    %mul3A_25 = arith.mulf %get3A_23, %mul3A_24 : vector<2048x1024xf32>
    %add3A_26 = vector.broadcast %sub3A_20 : vector<1x1024xf32> to vector<2048x1024xf32>
    %add3A_27 = arith.addf %mul3A_25, %add3A_26 : vector<2048x1024xf32>
    %swap3A = arith.constant 0 : index
    %swap3A_28 = arith.constant 0 : index
    %swap3A_29 = vector.load %arg6[%swap3A, %swap3A_28] : memref<2048x1024xf32, #tpu.memory_space<vmem>>, vector<2048x1024xf32>
    tpu.vector_store %arg6[%swap3A, %swap3A_28], %add3A_27 {strides = array<i32>} : memref<2048x1024xf32, #tpu.memory_space<vmem>>, vector<2048x1024xf32>,
    return
  }
  func.func @transform_0(%arg0: i32) -> (i32, i32) {
    %c0_i32 = arith.constant 0 : i32
    %c0_i32_0 = arith.constant 0 : i32
    return %arg0, %c0_i32 : i32, i32
  }
  func.func @transform_1(%arg0: i32) -> (i32, i32) {
    %c0_i32 = arith.constant 0 : i32
    %c0_i32_0 = arith.constant 0 : i32
    %c0_i32_1 = arith.constant 0 : i32
    return %c0_i32, %c0_i32_0 : i32, i32
  }
  func.func @transform_2(%arg0: i32) -> (i32, i32) {
    %c0_i32 = arith.constant 0 : i32
    %c0_i32_0 = arith.constant 0 : i32
    %c0_i32_1 = arith.constant 0 : i32
    return %c0_i32, %c0_i32_0 : i32, i32
  }
  func.func @transform_3(%arg0: i32) -> (i32, i32) {
    %c0_i32 = arith.constant 0 : i32
    %c0_i32_0 = arith.constant 0 : i32
    %c0_i32_1 = arith.constant 0 : i32
    return %c0_i32, %c0_i32_0 : i32, i32
  }
  func.func @transform_4(%arg0: i32) -> (i32, i32) {
    %c0_i32 = arith.constant 0 : i32
    %c0_i32_0 = arith.constant 0 : i32
    %c0_i32_1 = arith.constant 0 : i32
    return %c0_i32, %c0_i32_0 : i32, i32
  }
  func.func @transform_5(%arg0: i32) -> (i32, i32) {
    %c0_i32 = arith.constant 0 : i32
    %c0_i32_0 = arith.constant 0 : i32
    return %arg0, %c0_i32 : i32, i32
  }
}

</mosaic_0001>

<sc_bundles>
// kernel: kernel.13.cloned.1.call-start
scs
__scs_entry_jumppad:
0x0: {  	(pc) =	sbr.rel $0x88, $3  }
0x1: {  	(tag) =	ssettag $0x0;
	lr =	simm.s32 $0x1  }
0x2: {  	[smem:$0x3F7D] =	sst lr;
	_ =	strace $0xD0000000  }
0x3: {  	_ = 	snop  }
0x4: {  	_ = 	snop  }
0x5: {  	_ = 	snop  }
0x6: {  	_ = 	snop  }
0x7: {  	_ = 	snop  }
__scs_overlays_trampoline_lowered:
0x8: {  	[smem:$0x3F8C] =	sst s0  }
0x9: {  	[smem:$0x3F8D] =	sst s1  }
0xa: {  	[smem:$0x3F8E] =	sst s2  }
0xb: {  	[smem:$0x3F8F] =	sst s3  }
0xc: {  	[smem:$0x3F90] =	sst s4  }
0xd: {  	[smem:$0x3F91] =	sst s5  }
0xe: {  	[smem:$0x3F92] =	sst s6  }
0xf: {  	[smem:$0x3F93] =	sst s7  }
0x10: {  	[smem:$0x3F94] =	sst s8  }
0x11: {  	[smem:$0x3F95] =	sst s9;
	s0 =	simm.s32 @!p0 $0x0  }
0x12: {  	s1 =	sld [smem:$0x3F7B];
	s0 =	simm.s32 @p0 $0x1  }
0x13: {  	[smem:$0x3F96] =	sst s0;
	s0 =	simm.s32 @!p1 $0x0  }
0x14: {  	s2 =	sld [smem:$0x3F7A];
	s0 =	simm.s32 @p1 $0x1  }
0x15: {  	[smem:$0x3F97] =	sst s0;
	s0 =	simm.s32 @!p2 $0x0  }
0x16: {  	s3 =	sld [smem:$0x3FDB];
	s0 =	simm.s32 @p2 $0x1  }
0x17: {  	s4 =	simm.s32 $0x1BF5;
	[smem:$0x3F99] =	sst s0  }
0x18: {  	s0 =	sld [smem:$0x3F7C];
	_ =	swait.ge [sflag:s4], $0x0  }
0x19: {  	s7 =	sld [smem:$0x3F7D]  }
0x1a: {  	s8 =	sadd.s32 $0xFFFFE003, lr  }
0x1b: {  	s9 =	sadd.s32 $0xFFFFFEF7, lr;
	s5 =	simm.s32 $0xFFFFFFFF;
	p2 =	slt.u32 s8, $0xFFFFF086  }
0x1c: {  	p1 =	slt.u32 s9, $0xF7A;
	s5 =	simm.s32 @!p2 $0x0  }
0x1d: {  	s5 =	simm.s32 @p1 $0x1;
	p0 =	seq.s32 s7, s2  }
0x1e: {  	s7 =	smul.u32 @!p0 $0xF7A, s2;
	p2 =	seq.s32 @!p0 s5, $0x0  }
0x1f: {  	s9 =	smul.u32 $0xF7A, s1;
	s8 =	simm.s32 @!p0 $0x1BF5;
	p2 =	por !p2, p0  }
0x20: {  	[sflag:s8] =	ssyncset.s32 @!p0 $0xFFFFF086;
	s6 =	sadd.s32 @!p0 s3, s7;
	s7 =	simm.s32 @!p0 $0x108  }
0x21: {  	s3 =	sadd.s32 s3, s9;
	s6 =	sadd.s32 @!p0 $0x88, s6;
	s7 =	simm.s32 @p2 $0x1082  }
0x22: {  	[simem:s7], [sflag:s8] =	dma.local @!p0 [hbm:s6], $0xF7A  }
0x23: {  	s9 =	sor.u32 $0xD0000000, s2;
	s6 =	simm.s32 $0x108;
	_ =	swait.ge @!p0 [sflag:s8], $0x0  }
0x24: {  	s3 =	sadd.s32 $0x88, s3;
	s6 =	simm.s32 @!p1 $0x1082;
	[sflag:s4] =	ssyncset.s32 $0xFFFFF086  }
0x25: {  	[simem:s6], [sflag:s4] =	dma.local [hbm:s3], $0xF7A  }
0x26: {  	[smem:$0x3F7D] =	sst s1;
	(tag) =	ssettag s2;
	_ =	strace s9  }
0x27: {  	s1 =	sld [smem:$0x3F8D]  }
0x28: {  	s2 =	sld [smem:$0x3F8E]  }
0x29: {  	s4 =	sld [smem:$0x3F90]  }
0x2a: {  	p0 =	seq.s32 s5, $0x0;
	s5 =	sld [smem:$0x3F91]  }
0x2b: {  	s6 =	sld [smem:$0x3F92]  }
0x2c: {  	s7 =	sld [smem:$0x3F93]  }
0x2d: {  	s3 =	simm.s32 $0x108;
	s8 =	sld [smem:$0x3F94]  }
0x2e: {  	s3 =	simm.s32 @!p0 $0x1082;
	s9 =	sld [smem:$0x3F95]  }
0x2f: {  	lr =	sadd.s32 s0, s3;
	s0 =	sld [smem:$0x3F8C]  }
0x30: {  	s3 =	sld [smem:$0x3F8F]  }
0x31: {  	[smem:$0x3F98] =	sst s10  }
0x32: {  	s10 =	sld [smem:$0x3F96];
	_ =	sdelay $0x3  }
0x33: {  	p0 =	seq.s32 s10, $0x1;
	s10 =	sld [smem:$0x3F98];
	_ =	sdelay $0x3  }
0x34: {  	[smem:$0x3F98] =	sst s10  }
0x35: {  	s10 =	sld [smem:$0x3F97];
	_ =	sdelay $0x3  }
0x36: {  	p1 =	seq.s32 s10, $0x1;
	s10 =	sld [smem:$0x3F98];
	_ =	sdelay $0x3  }
0x37: {  	[smem:$0x3F98] =	sst s10  }
0x38: {  	s10 =	sld [smem:$0x3F99]  }
0x39: {  	_ = 	snop;
	(pc) =	sbr.ind lr, $3  }
0x3a: {  	_ = 	snop  }
0x3b: {  	_ = 	snop  }
0x3c: {  	p2 =	seq.s32 s10, $0x1;
	s10 =	sld [smem:$0x3F98]  }
0x3d: {  	_ =	shalt  }
0x3e: {  	_ =	shalt  }
0x3f: {  	_ =	shalt  }
0x40: {  	_ =	shalt  }
0x41: {  	_ =	shalt  }
0x42: {  	_ =	shalt  }
0x43: {  	_ =	shalt  }
0x44: {  	_ =	shalt  }
0x45: {  	_ =	shalt  }
0x46: {  	_ =	shalt  }
0x47: {  	_ =	shalt  }
0x48: {  	_ =	shalt  }
0x49: {  	_ =	shalt  }
0x4a: {  	_ =	shalt  }
0x4b: {  	_ =	shalt  }
0x4c: {  	_ =	shalt  }
0x4d: {  	_ =	shalt  }
0x4e: {  	_ =	shalt  }
0x4f: {  	_ =	shalt  }
0x50: {  	_ =	shalt  }
0x51: {  	_ =	shalt  }
0x52: {  	_ =	shalt  }
0x53: {  	_ =	shalt  }
0x54: {  	_ =	shalt  }
0x55: {  	_ =	shalt  }
0x56: {  	_ =	shalt  }
0x57: {  	_ =	shalt  }
0x58: {  	_ =	shalt  }
0x59: {  	_ =	shalt  }
0x5a: {  	_ =	shalt  }
0x5b: {  	_ =	shalt  }
0x5c: {  	_ =	shalt  }
0x5d: {  	_ =	shalt  }
0x5e: {  	_ =	shalt  }
0x5f: {  	_ =	shalt  }
0x60: {  	_ =	shalt  }
0x61: {  	_ =	shalt  }
0x62: {  	_ =	shalt  }
0x63: {  	_ =	shalt  }
0x64: {  	_ =	shalt  }
0x65: {  	_ =	shalt  }
0x66: {  	_ =	shalt  }
0x67: {  	_ =	shalt  }
0x68: {  	_ =	shalt  }
0x69: {  	_ =	shalt  }
0x6a: {  	_ =	shalt  }
0x6b: {  	_ =	shalt  }
0x6c: {  	_ =	shalt  }
0x6d: {  	_ =	shalt  }
0x6e: {  	_ =	shalt  }
0x6f: {  	_ =	shalt  }
0x70: {  	_ =	shalt  }
0x71: {  	_ =	shalt  }
0x72: {  	_ =	shalt  }
0x73: {  	_ =	shalt  }
0x74: {  	_ =	shalt  }
0x75: {  	_ =	shalt  }
0x76: {  	_ =	shalt  }
0x77: {  	_ =	shalt  }
0x78: {  	_ =	shalt  }
0x79: {  	_ =	shalt  }
0x7a: {  	_ =	shalt  }
0x7b: {  	_ =	shalt  }
0x7c: {  	_ =	shalt  }
0x7d: {  	_ =	shalt  }
0x7e: {  	_ =	shalt  }
0x7f: {  	_ =	shalt  }
0x80: {  	_ =	shalt  }
0x81: {  	_ =	shalt  }
0x82: {  	_ =	shalt  }
0x83: {  	_ =	shalt  }
0x84: {  	_ =	shalt  }
0x85: {  	_ =	shalt  }
0x86: {  	_ =	shalt  }
0x87: {  	_ =	shalt  }
.Lfunc_end0:
.L_simem_size_0:
called_computation_lowered:
.L_overlay_start_0:
0x88: {  	s2 =	sld [smem:$0x3FD9]  }
0x89: {  	s3 =	sld [smem:$0x3FFE];
	_ =	sdelay $0x1  }
0x8a: {  	s1 =	srdreg.scid  }
0x8b: {  	s0 =	sand.u32 $0x1, s1  }
0x8c: {  	s17 =	sshll.u32 s0, $0xA;
	s2 =	sadd.s32 s3, s2  }
0x8d: {  	s2 =	sadd.s32 s2, s17  }
0x8e: {  	[smem:$0x3FA4] =	sst s2  }
0x8f: {  	_ = 	snop  }
0x90: {  	s2 =	sld [smem:$0x3FD0];
	(tm) =	ssettm $0x1  }
0x91: {  	s18 =	sld [smem:$0x3FFB];
	_ =	sdelay $0x3  }
0x92: {  	_ =	strace s18  }
0x93: {  	s3 =	sld [smem:$0x3FFC];
	_ =	sdelay $0x3  }
0x94: {  	_ =	strace s3  }
0x95: {  	s3 =	sld [smem:$0x3FFD];
	_ =	sdelay $0x3  }
0x96: {  	_ =	strace s3  }
0x97: {  	_ =	strace $0x8FFFFFFF  }
0x98: {  	s19 =	sld [smem:$0x3FDB];
	_ =	sdelay $0x1  }
0x99: {  	s4 =	simm.s32 $_scs_section_size  }
0x9a: {  	s5 =	simm.s32 $_size__tile_overlayer_lowered;
	s6 =	simm.s32 $_tile_overlayer_lowered  }
0x9b: {  	s22 =	simm.s32 $0x1BFF;
	s21 =	sshll.u32 s6, $0x1;
	s3 =	sadd.s32 s4, s19  }
0x9c: {  	s7 =	simm.s32 $0x0;
	s20 =	sshll.u32 s5, $0x1;
	s5 =	sadd.s32 s21, s3  }
0x9d: {  	[timem:s7], [sflag:s22] =	dma.local [hbm:s5], s20  }
0x9e: {  	_ =	swait.ge [sflag:s22], s20  }
0x9f: {  	s4 =	ssub.s32 $0x0, s20;
	[sflag:s22] =	ssyncset.done $0x0  }
0xa0: {  	[sflag:s22] =	ssyncadd.s32 s4;
	_ =	sdelay $0x1  }
0xa1: {  	s23 =	simm.s32 $0x1B8B  }
0xa2: {  	_ =	swait.ge [sflag:s23], $0x1  }
0xa3: {  	[sflag:s23] =	ssyncset.done $0x0  }
0xa4: {  	s25 =	simm.s32 $0x1B8E;
	s24 =	sld [smem:$0x3FFE];
	[sflag:s23] =	ssyncadd.s32 $0xFFFFFFFF  }
0xa5: {  	s26 =	simm.s32 $execute0_lowered;
	[smem:$0x3FD2] =	sst s25  }
0xa6: {  	s5 =	sshll.u32 s26, $0x1;
	_ =	strace $0x80000046;
	[dreg:$0x1] =	wrdreg $0xFFFFFFFF  }
0xa7: {  	s28 =	simm.s32 $_size_execute0_lowered;
	s3 =	sadd.s32 s3, s5;
	[dreg:$0x0] =	wrdreg $0x0  }
0xa8: {  	s5 =	sshll.u32 s28, $0x1;
	[dreg:$0x2] =	wrdreg s3  }
0xa9: {  	[dreg:$0x3] =	wrdreg s5  }
0xaa: {  	[dreg:$0x4] =	wrdreg $0xC0  }
0xab: {  	_ =	task [dreg:s7], $0x5FFFF  }
0xac: {  	[dreg:$0x1] =	wrdreg $0xFFFFFFFF  }
0xad: {  	[dreg:$0x0] =	wrdreg $0x60  }
0xae: {  	[dreg:$0x2] =	wrdreg s2  }
0xaf: {  	[dreg:$0x3] =	wrdreg s24  }
0xb0: {  	[dreg:$0x4] =	wrdreg $0x9  }
0xb1: {  	_ =	task.clear_ibuf [dreg:s7], $0x5FFFF;
	_ =	strace $0x90000046  }
0xb2: {  	s29 =	simm.s32 $0x9;
	_ =	strace $0x80000048  }
0xb3: {  	_ =	swait.ge [sflag:s29], $0x1  }
0xb4: {  	[sflag:s29] =	ssyncadd.s32 $0xFFFFFFFF  }
0xb5: {  	_ =	strace $0x90000048  }
0xb6: {  	_ =	sfence  }
0xb7: {  	s30 =	sld [smem:$0x0];
	_ =	sdelay $0x2  }
0xb8: {  	s31 =	sshll.u32 s1, $0xD;
	s1 =	sshrl.u32 s1, $0x2  }
0xb9: {  	s3 =	sand.u32 $0x4000, s31;
	s1 =	sadd.s32 s1, s30  }
0xba: {  	s0 =	sor.u32 s3, s0;
	s1 =	sshll.u32 s1, $0x11  }
0xbb: {  	s0 =	sor.u32 s1, s0  }
0xbc: {  	s0 =	sadd.s32 $0x8F2B, s0  }
0xbd: {  	[sflag:s0] =	ssyncadd.remote.s32 $0x1  }
0xbe: {  	_ =	sfence.sel $0xFFFF  }
0xbf: {  	[dreg:$0x0] =	wrdreg $0xFFFFFFFF;
	(pc) =	sbr.abs _section_cstart, $3  }
0xc0: {  	[dreg:$0x1] =	wrdreg $0xFFFFFFFF  }
0xc1: {  	_ =	task.clear_ibuf [dreg:s7], $0x2FFFF;
	_ =	strace $0x9FFFFFFF  }
0xc2: {  	(tm) =	ssettm $0x7FFFFFFF  }
0xc3: {  	_ =	shalt  }
tec
execute0_lowered:
.L_overlay_start_1:
0x0: {  	(tag) =	ssettag $0x1  }
0x1: {  	s0 =	srdreg.scid;
	s2 =	rddreg [dreg:$0x0]  }
0x2: {  	s1 =	stileid.u32;
	s4 =	rddreg [dreg:$0x1]  }
0x3: {  	s3 =	simm.s32 $0x0;
	s13 =	simm.s32 $0x2;
	s15 =	simm.s32 $0x9400  }
0x4: {  	s16 =	simm.s32 $0x9C00;
	s12 =	simm.s32 $0xC400;
	s17 =	simm.s32 $0xCC00  }
0x5: {  	s0 =	sand.u32 $0x1, s0;
	s1 =	sshll.u32 s1, $0x1;
	[smem:$0x7FF] =	sst s3  }
0x6: {  	s8 =	sadd.s32 $0x100, s2;
	s9 =	sadd.s32 $0x200, s2;
	s10 =	sadd.s32 $0x300, s2  }
0x7: {  	s1 =	sor.u32 s0, s1;
	_ =	strace $0x80000047;
	s0 =	ssub.s32 $0x2, s0  }
0x8: {  	s5 =	smul.u32 $0xC0, s1;
	s6 =	sshll.u32 s1, $0x6;
	s1 =	sshll.u32 s1, $0x10  }
0x9: {  	s7 =	sshrl.u32 s0, $0x1;
	s6 =	sadd.s32 s6, s4;
	s1 =	sadd.s32 s1, s4  }
0xa: {  	s0 =	ssub.s32 s0, s7;
	s7 =	simm.s32 $0xBC00;
	s29 =	sadd.s32 $0x7400, s6  }
0xb: {  	s5 =	sadd.s32 s5, s4;
	s30 =	sadd.s32 $0x7C00, s6;
	[dreg:$0x4] =	wrdreg s29  }
0xc: {  	s31 =	sadd.s32 $0x8400, s6;
	s11 =	sadd.s32 $0x8C00, s1;
	[dreg:$0x5] =	wrdreg s30  }
0xd: {  	v2 =	vlaneseq.u32;
	s0 =	smax.u32 s0, $0x1;
	s4 =	simm.s32 $0xA400;
	[dreg:$0x6] =	wrdreg s31  }
0xe: {  	vm0 =	vmmov $0xffff;
	v1 =	vshrl.u32 v2, $0x3;
	s6 =	simm.s32 $0xB400;
	s28 =	sadd.s32 $0x5C00, s5;
	[dreg:$0x7] =	wrdreg s0  }
0xf: {  	v0 =	vand.u32 $0x7, v2;
	v2 =	vor.u32 $0x8, v2;
	v1 =	vmul.u32 $0x8, v1;
	s1 =	simm.s32 $0x0;
	s5 =	simm.s32 $0xAC00;
	[dreg:$0x3] =	wrdreg s28  }
.LBB2_1:
0x10: {  	[dreg:$0x8] =	wrdreg s1  }
0x11: {  	s0 =	rddreg [dreg:$0x3]  }
0x12: {  	[tilespmem:s3], [sflag:$0x2] =	stream.linear.gather [hbm4b:s0+s3], $0x600, $0x38;
	[tilespmem:$0x10C00] =	vst v63  }
0x13: {  	_ =	swait.ge [sflag:s13], $0x600  }
0x14: {  	[sflag:s13] =	ssyncset.done $0x0  }
0x15: {  	s26 =	simm.s32 $0x600;
	s25 =	rddreg [dreg:$0x4];
	[sflag:s13] =	ssyncadd.s32 $0xFFFFFA00  }
0x16: {  	[tilespmem:s26], [sflag:$0x2] =	stream.linear.gather [hbm4b:s25+s3], $0x200, $0x38;
	[tilespmem:$0x10C00] =	vst v63  }
0x17: {  	_ =	swait.ge [sflag:s13], $0x200  }
0x18: {  	[sflag:s13] =	ssyncset.done $0x0  }
0x19: {  	s29 =	simm.s32 $0x800;
	s28 =	rddreg [dreg:$0x5];
	[sflag:s13] =	ssyncadd.s32 $0xFFFFFE00  }
0x1a: {  	[tilespmem:s29], [sflag:$0x2] =	stream.linear.gather [hbm4b:s28+s3], $0x200, $0x38;
	[tilespmem:$0x10C00] =	vst v63  }
0x1b: {  	_ =	swait.ge [sflag:s13], $0x200  }
0x1c: {  	[sflag:s13] =	ssyncset.done $0x0  }
0x1d: {  	s31 =	simm.s32 $0xA00;
	s30 =	rddreg [dreg:$0x6];
	[sflag:s13] =	ssyncadd.s32 $0xFFFFFE00  }
0x1e: {  	[tilespmem:s31], [sflag:$0x2] =	stream.linear.gather [hbm4b:s30+s3], $0x200, $0x38;
	[tilespmem:$0x10C00] =	vst v63  }
0x1f: {  	_ =	swait.ge [sflag:s13], $0x200  }
0x20: {  	[sflag:s13] =	ssyncset.done $0x0  }
0x21: {  	s18 =	simm.s32 $0x0;
	[sflag:s13] =	ssyncadd.s32 $0xFFFFFE00  }
.LBB2_2:
0x22: {  	s0 =	smul.u32 $0xC0, s18;
	_ =	sdelay $0x1  }
0x23: {  	s0 =	sshra.s32 s0, $0x2  }
0x24: {  	v3 =	vld [tilespmem:s0+$0x0];
	_ =	sdelay $0x4  }
0x25: {  	v4 =	vshll.u32 v3, $0x3  }
0x26: {  	v3 =	vand.u32 $0x7, v3;
	v4 =	vand.u32 $0xFFFFFFC0, v4  }
0x27: {  	v3 =	vor.u32 v3, v4  }
0x28: {  	v4 =	vperm.xlane v3, v0;
	_ =	sdelay $0x1  }
0x29: {  	v4 =	vadd.s32 v1, v4;
	_ =	sdelay $0x3  }
0x2a: {  	s19 =	simm.s32 $0x0;
	s1 =	simm.s32 $0xC00  }
0x2b: {  	[tilespmem:s1], [sflag:$0x1] =	stream.indirect_vreg.gather [hbm4b:s2+s19], $0x80, v4, vm0, $0xb8;
	[tilespmem:$0x10C00] =	vst v63  }
0x2c: {  	s24 =	simm.s32 $0x1400;
	v3 =	vperm.xlane v3, v2  }
0x2d: {  	[tilespmem:s24], [sflag:$0x1] =	stream.indirect_vreg.gather [hbm4b:s8+s19], $0x80, v4, vm0, $0xb8;
	[tilespmem:$0x10C00] =	vst v63  }
0x2e: {  	s25 =	simm.s32 $0x1C00;
	v3 =	vadd.s32 v1, v3  }
0x2f: {  	[tilespmem:s25], [sflag:$0x1] =	stream.indirect_vreg.gather [hbm4b:s9+s19], $0x80, v4, vm0, $0xb8;
	[tilespmem:$0x10C00] =	vst v63  }
0x30: {  	s26 =	simm.s32 $0x2400  }
0x31: {  	[tilespmem:s26], [sflag:$0x1] =	stream.indirect_vreg.gather [hbm4b:s10+s19], $0x80, v4, vm0, $0xb8;
	[tilespmem:$0x10C00] =	vst v63  }
0x32: {  	s29 =	simm.s32 $0x2C00  }
0x33: {  	[tilespmem:s29], [sflag:$0x1] =	stream.indirect_vreg.gather [hbm4b:s2+s19], $0x80, v3, vm0, $0xb8;
	[tilespmem:$0x10C00] =	vst v63  }
0x34: {  	s30 =	simm.s32 $0x3400  }
0x35: {  	[tilespmem:s30], [sflag:$0x1] =	stream.indirect_vreg.gather [hbm4b:s8+s19], $0x80, v3, vm0, $0xb8;
	[tilespmem:$0x10C00] =	vst v63  }
0x36: {  	s31 =	simm.s32 $0x3C00  }
0x37: {  	[tilespmem:s31], [sflag:$0x1] =	stream.indirect_vreg.gather [hbm4b:s9+s19], $0x80, v3, vm0, $0xb8;
	[tilespmem:$0x10C00] =	vst v63  }
0x38: {  	s14 =	simm.s32 $0x4400  }
0x39: {  	[tilespmem:s14], [sflag:$0x1] =	stream.indirect_vreg.gather [hbm4b:s10+s19], $0x80, v3, vm0, $0xb8;
	[tilespmem:$0x10C00] =	vst v63  }
0x3a: {  	v3 =	vld [tilespmem:s0+$0x10];
	_ =	sdelay $0x4  }
0x3b: {  	v4 =	vshll.u32 v3, $0x3  }
0x3c: {  	v3 =	vand.u32 $0x7, v3;
	v4 =	vand.u32 $0xFFFFFFC0, v4  }
0x3d: {  	v3 =	vor.u32 v3, v4  }
0x3e: {  	v4 =	vperm.xlane v3, v0;
	_ =	sdelay $0x1  }
0x3f: {  	v4 =	vadd.s32 v1, v4;
	_ =	sdelay $0x3  }
0x40: {  	s20 =	simm.s32 $0x4C00  }
0x41: {  	[tilespmem:s20], [sflag:$0x1] =	stream.indirect_vreg.gather [hbm4b:s2+s19], $0x80, v4, vm0, $0xb8;
	[tilespmem:$0x10C00] =	vst v63  }
0x42: {  	s21 =	simm.s32 $0x5400;
	v3 =	vperm.xlane v3, v2  }
0x43: {  	[tilespmem:s21], [sflag:$0x1] =	stream.indirect_vreg.gather [hbm4b:s8+s19], $0x80, v4, vm0, $0xb8;
	[tilespmem:$0x10C00] =	vst v63  }
0x44: {  	s22 =	simm.s32 $0x5C00;
	v3 =	vadd.s32 v1, v3  }
0x45: {  	[tilespmem:s22], [sflag:$0x1] =	stream.indirect_vreg.gather [hbm4b:s9+s19], $0x80, v4, vm0, $0xb8;
	[tilespmem:$0x10C00] =	vst v63  }
0x46: {  	s23 =	simm.s32 $0x6400  }
0x47: {  	[tilespmem:s23], [sflag:$0x1] =	stream.indirect_vreg.gather [hbm4b:s10+s19], $0x80, v4, vm0, $0xb8;
	[tilespmem:$0x10C00] =	vst v63  }
0x48: {  	s24 =	simm.s32 $0x6C00  }
0x49: {  	[tilespmem:s24], [sflag:$0x1] =	stream.indirect_vreg.gather [hbm4b:s2+s19], $0x80, v3, vm0, $0xb8;
	[tilespmem:$0x10C00] =	vst v63  }
0x4a: {  	s25 =	simm.s32 $0x7400  }
0x4b: {  	[tilespmem:s25], [sflag:$0x1] =	stream.indirect_vreg.gather [hbm4b:s8+s19], $0x80, v3, vm0, $0xb8;
	[tilespmem:$0x10C00] =	vst v63  }
0x4c: {  	s26 =	simm.s32 $0x7C00  }
0x4d: {  	[tilespmem:s26], [sflag:$0x1] =	stream.indirect_vreg.gather [hbm4b:s9+s19], $0x80, v3, vm0, $0xb8;
	[tilespmem:$0x10C00] =	vst v63  }
0x4e: {  	s29 =	simm.s32 $0x8400  }
0x4f: {  	[tilespmem:s29], [sflag:$0x1] =	stream.indirect_vreg.gather [hbm4b:s10+s19], $0x80, v3, vm0, $0xb8;
	[tilespmem:$0x10C00] =	vst v63  }
0x50: {  	v3 =	vld [tilespmem:s0+$0x20];
	_ =	sdelay $0x4  }
0x51: {  	v4 =	vshll.u32 v3, $0x3  }
0x52: {  	v3 =	vand.u32 $0x7, v3;
	v4 =	vand.u32 $0xFFFFFFC0, v4  }
0x53: {  	v3 =	vor.u32 v3, v4  }
0x54: {  	v4 =	vperm.xlane v3, v0;
	_ =	sdelay $0x1  }
0x55: {  	v4 =	vadd.s32 v1, v4;
	_ =	sdelay $0x3  }
0x56: {  	s30 =	simm.s32 $0x8C00  }
0x57: {  	[tilespmem:s30], [sflag:$0x1] =	stream.indirect_vreg.gather [hbm4b:s2+s19], $0x80, v4, vm0, $0xb8;
	[tilespmem:$0x10C00] =	vst v63  }
0x58: {  	v3 =	vperm.xlane v3, v2  }
0x59: {  	[tilespmem:s15], [sflag:$0x1] =	stream.indirect_vreg.gather [hbm4b:s8+s19], $0x80, v4, vm0, $0xb8;
	[tilespmem:$0x10C00] =	vst v63  }
0x5a: {  	v3 =	vadd.s32 v1, v3  }
0x5b: {  	[tilespmem:s16], [sflag:$0x1] =	stream.indirect_vreg.gather [hbm4b:s9+s19], $0x80, v4, vm0, $0xb8;
	[tilespmem:$0x10C00] =	vst v63  }
0x5c: {  	_ = 	snop  }
0x5d: {  	[tilespmem:s4], [sflag:$0x1] =	stream.indirect_vreg.gather [hbm4b:s10+s19], $0x80, v4, vm0, $0xb8;
	[tilespmem:$0x10C00] =	vst v63  }
0x5e: {  	_ = 	snop  }
0x5f: {  	[tilespmem:s5], [sflag:$0x1] =	stream.indirect_vreg.gather [hbm4b:s2+s19], $0x80, v3, vm0, $0xb8;
	[tilespmem:$0x10C00] =	vst v63  }
0x60: {  	_ = 	snop  }
0x61: {  	[tilespmem:s6], [sflag:$0x1] =	stream.indirect_vreg.gather [hbm4b:s8+s19], $0x80, v3, vm0, $0xb8;
	[tilespmem:$0x10C00] =	vst v63  }
0x62: {  	_ = 	snop  }
0x63: {  	[tilespmem:s7], [sflag:$0x1] =	stream.indirect_vreg.gather [hbm4b:s9+s19], $0x80, v3, vm0, $0xb8;
	[tilespmem:$0x10C00] =	vst v63  }
0x64: {  	s20 =	simm.s32 $0x1  }
0x65: {  	[tilespmem:s12], [sflag:$0x1] =	stream.indirect_vreg.gather [hbm4b:s10+s19], $0x80, v3, vm0, $0xb8;
	[tilespmem:$0x10C00] =	vst v63  }
0x66: {  	_ =	swait.ge [sflag:s20], $0xC000  }
0x67: {  	[sflag:s20] =	ssyncset.done $0x0  }
0x68: {  	s31 =	sshll.u32 s18, $0x4;
	[sflag:s20] =	ssyncadd.s32 $0xFFFF4000  }
0x69: {  	s28 =	simm.s32 $0x0;
	v3 =	vld [tilespmem:s31+$0x600]  }
0x6a: {  	s21 =	simm.s32 $0x400;
	s22 =	simm.s32 $0x800;
	s23 =	simm.s32 $0x2;
	v4 =	vld [tilespmem:s31+$0x800]  }
0x6b: {  	s24 =	simm.s32 $0x0;
	s25 =	simm.s32 $0x0;
	s26 =	simm.s32 $0x0;
	v5 =	vld [tilespmem:s31+$0xA00]  }
.LBB2_3:
0x6c: {  	s0 =	sshll.u32 s26, $0x2;
	s1 =	sand.u32 $0x7, s25;
	s14 =	sshll.u32 s21, $0x2  }
0x6d: {  	s29 =	sand.u32 $0x7, s20;
	s0 =	sand.u32 $0xFFFF8000, s0;
	s1 =	sshll.u32 s1, $0x9  }
0x6e: {  	s0 =	sor.u32 s1, s0;
	s1 =	sand.u32 $0xFFFF8000, s14;
	s14 =	sshll.u32 s29, $0x9  }
0x6f: {  	s30 =	sand.u32 $0x7, s23;
	s1 =	sor.u32 s14, s1  }
0x70: {  	s0 =	sshrl.u32 s0, $0x2;
	s14 =	sshll.u32 s22, $0x2;
	s1 =	sshrl.u32 s1, $0x2  }
0x71: {  	s29 =	sor.u32 $0xC40, s1;
	s1 =	sand.u32 $0xFFFF8000, s14;
	s14 =	sshll.u32 s30, $0x9  }
0x72: {  	v6 =	vmov s28;
	s30 =	sor.u32 $0xC40, s0;
	s14 =	sor.u32 s14, s1;
	v9 =	vld [tilespmem:s29+$0xFFFFFFC0]  }
0x73: {  	v6 =	vand.u32 $0xF, v6;
	v10 =	vld [tilespmem:s30+$0xFFFFFFC0];
	s0 =	sshrl.u32 s14, $0x2  }
0x74: {  	v8 =	vbroadcast v6, $0x0;
	s0 =	sor.u32 $0xC40, s0  }
0x75: {  	v11 =	vld [tilespmem:s0+$0xFFFFFFC0]  }
0x76: {  	v6 =	vperm.xlane v3, v8;
	v7 =	vperm.xlane v4, v8  }
0x77: {  	v8 =	vperm.xlane v5, v8  }
0x78: {  	v9 =	vmul.f32 v9, v7;
	v10 =	vmul.f32 v10, v6  }
0x79: {  	s1 =	sshll.u32 s24, $0x2;
	s14 =	sand.u32 $0x7, s19  }
0x7a: {  	s1 =	sand.u32 $0xFFFF8000, s1;
	s14 =	sshll.u32 s14, $0x9;
	v9 =	vadd.f32 v9, v10;
	v11 =	vmul.f32 v11, v8  }
0x7b: {  	s1 =	sor.u32 s14, s1  }
0x7c: {  	s1 =	sshrl.u32 s1, $0x2;
	v9 =	vadd.f32 v11, v9  }
0x7d: {  	s31 =	sadd.s32 $0xCC40, s1  }
0x7e: {  	[tilespmem:s31+$0xFFFFFFC0] =	vst v9  }
0x7f: {  	v9 =	vld [tilespmem:s29+$0xFFFFFFD0]  }
0x80: {  	v10 =	vld [tilespmem:s30+$0xFFFFFFD0];
	_ =	sdelay $0x1  }
0x81: {  	v11 =	vld [tilespmem:s0+$0xFFFFFFD0];
	_ =	sdelay $0x2  }
0x82: {  	v10 =	vmul.f32 v10, v6;
	v9 =	vmul.f32 v9, v7;
	_ =	sdelay $0x1  }
0x83: {  	v9 =	vadd.f32 v9, v10;
	v10 =	vmul.f32 v11, v8;
	_ =	sdelay $0x1  }
0x84: {  	v9 =	vadd.f32 v10, v9;
	_ =	sdelay $0x1  }
0x85: {  	[tilespmem:s31+$0xFFFFFFD0] =	vst v9  }
0x86: {  	v9 =	vld [tilespmem:s30+$0xFFFFFFE0]  }
0x87: {  	v10 =	vld [tilespmem:s29+$0xFFFFFFE0];
	_ =	sdelay $0x1  }
0x88: {  	v11 =	vld [tilespmem:s0+$0xFFFFFFE0];
	_ =	sdelay $0x2  }
0x89: {  	v9 =	vmul.f32 v9, v6;
	v10 =	vmul.f32 v10, v7;
	_ =	sdelay $0x1  }
0x8a: {  	v9 =	vadd.f32 v10, v9;
	v10 =	vmul.f32 v11, v8;
	_ =	sdelay $0x1  }
0x8b: {  	v9 =	vadd.f32 v10, v9;
	_ =	sdelay $0x1  }
0x8c: {  	[tilespmem:s31+$0xFFFFFFE0] =	vst v9  }
0x8d: {  	v9 =	vld [tilespmem:s30+$0xFFFFFFF0]  }
0x8e: {  	v10 =	vld [tilespmem:s29+$0xFFFFFFF0];
	_ =	sdelay $0x1  }
0x8f: {  	v11 =	vld [tilespmem:s0+$0xFFFFFFF0];
	_ =	sdelay $0x2  }
0x90: {  	v9 =	vmul.f32 v9, v6;
	v10 =	vmul.f32 v10, v7;
	_ =	sdelay $0x1  }
0x91: {  	v9 =	vadd.f32 v10, v9;
	v10 =	vmul.f32 v11, v8;
	_ =	sdelay $0x1  }
0x92: {  	v9 =	vadd.f32 v10, v9;
	_ =	sdelay $0x1  }
0x93: {  	[tilespmem:s31+$0xFFFFFFF0] =	vst v9  }
0x94: {  	v9 =	vld [tilespmem:s30+$0x0]  }
0x95: {  	v10 =	vld [tilespmem:s29+$0x0];
	_ =	sdelay $0x1  }
0x96: {  	v11 =	vld [tilespmem:s0+$0x0];
	_ =	sdelay $0x2  }
0x97: {  	v9 =	vmul.f32 v9, v6;
	v10 =	vmul.f32 v10, v7;
	_ =	sdelay $0x1  }
0x98: {  	v9 =	vadd.f32 v10, v9;
	v10 =	vmul.f32 v11, v8;
	_ =	sdelay $0x1  }
0x99: {  	v9 =	vadd.f32 v10, v9;
	_ =	sdelay $0x1  }
0x9a: {  	[tilespmem:s31+$0x0] =	vst v9  }
0x9b: {  	v9 =	vld [tilespmem:s30+$0x10]  }
0x9c: {  	v10 =	vld [tilespmem:s29+$0x10];
	_ =	sdelay $0x1  }
0x9d: {  	v11 =	vld [tilespmem:s0+$0x10];
	_ =	sdelay $0x2  }
0x9e: {  	v9 =	vmul.f32 v9, v6;
	v10 =	vmul.f32 v10, v7;
	_ =	sdelay $0x1  }
0x9f: {  	v9 =	vadd.f32 v10, v9;
	v10 =	vmul.f32 v11, v8;
	_ =	sdelay $0x1  }
0xa0: {  	v9 =	vadd.f32 v10, v9;
	_ =	sdelay $0x1  }
0xa1: {  	[tilespmem:s31+$0x10] =	vst v9  }
0xa2: {  	v9 =	vld [tilespmem:s30+$0x20]  }
0xa3: {  	v10 =	vld [tilespmem:s29+$0x20];
	_ =	sdelay $0x1  }
0xa4: {  	v11 =	vld [tilespmem:s0+$0x20];
	_ =	sdelay $0x2  }
0xa5: {  	v9 =	vmul.f32 v9, v6;
	v10 =	vmul.f32 v10, v7;
	_ =	sdelay $0x1  }
0xa6: {  	v9 =	vadd.f32 v10, v9;
	v10 =	vmul.f32 v11, v8;
	_ =	sdelay $0x1  }
0xa7: {  	v9 =	vadd.f32 v10, v9;
	_ =	sdelay $0x1  }
0xa8: {  	[tilespmem:s31+$0x20] =	vst v9  }
0xa9: {  	v9 =	vld [tilespmem:s30+$0x30]  }
0xaa: {  	v10 =	vld [tilespmem:s29+$0x30]  }
0xab: {  	v11 =	vld [tilespmem:s0+$0x30]  }
0xac: {  	s1 =	simm.s32 $0x0;
	s14 =	sadd.s32 $0x400, s31;
	s0 =	sadd.s32 $0x400, s0  }
.LBB2_4:
0xad: {  	s1 =	sadd.s32 $0x8, s1;
	s30 =	sadd.s32 $0x400, s30;
	s29 =	sadd.s32 $0x400, s29  }
0xae: {  	p0 =	slt.u32 s1, $0x38;
	v9 =	vmul.f32 v9, v6  }
0xaf: {  	v10 =	vmul.f32 v10, v7  }
0xb0: {  	v11 =	vmul.f32 v11, v8  }
0xb1: {  	v9 =	vadd.f32 v10, v9;
	_ =	sdelay $0x1  }
0xb2: {  	v9 =	vadd.f32 v11, v9;
	_ =	sdelay $0x1  }
0xb3: {  	[tilespmem:s31+$0x30] =	vst v9;
	s31 =	smov.u32 s14  }
0xb4: {  	v9 =	vld [tilespmem:s29+$0xFFFFFFC0]  }
0xb5: {  	v10 =	vld [tilespmem:s30+$0xFFFFFFC0]  }
0xb6: {  	v11 =	vld [tilespmem:s0+$0xFFFFFFC0];
	_ =	sdelay $0x2  }
0xb7: {  	v9 =	vmul.f32 v9, v7  }
0xb8: {  	v10 =	vmul.f32 v10, v6  }
0xb9: {  	v11 =	vmul.f32 v11, v8  }
0xba: {  	v9 =	vadd.f32 v9, v10;
	_ =	sdelay $0x1  }
0xbb: {  	v9 =	vadd.f32 v11, v9;
	_ =	sdelay $0x1  }
0xbc: {  	[tilespmem:s14+$0xFFFFFFC0] =	vst v9  }
0xbd: {  	v9 =	vld [tilespmem:s29+$0xFFFFFFD0]  }
0xbe: {  	v10 =	vld [tilespmem:s30+$0xFFFFFFD0];
	_ =	sdelay $0x1  }
0xbf: {  	v11 =	vld [tilespmem:s0+$0xFFFFFFD0];
	_ =	sdelay $0x2  }
0xc0: {  	v9 =	vmul.f32 v9, v7;
	v10 =	vmul.f32 v10, v6;
	_ =	sdelay $0x1  }
0xc1: {  	v9 =	vadd.f32 v9, v10;
	v10 =	vmul.f32 v11, v8;
	_ =	sdelay $0x1  }
0xc2: {  	v9 =	vadd.f32 v10, v9;
	_ =	sdelay $0x1  }
0xc3: {  	[tilespmem:s14+$0xFFFFFFD0] =	vst v9  }
0xc4: {  	v9 =	vld [tilespmem:s30+$0xFFFFFFE0]  }
0xc5: {  	v10 =	vld [tilespmem:s29+$0xFFFFFFE0];
	_ =	sdelay $0x1  }
0xc6: {  	v11 =	vld [tilespmem:s0+$0xFFFFFFE0];
	_ =	sdelay $0x2  }
0xc7: {  	v9 =	vmul.f32 v9, v6;
	v10 =	vmul.f32 v10, v7;
	_ =	sdelay $0x1  }
0xc8: {  	v9 =	vadd.f32 v10, v9;
	v10 =	vmul.f32 v11, v8;
	_ =	sdelay $0x1  }
0xc9: {  	v9 =	vadd.f32 v10, v9;
	_ =	sdelay $0x1  }
0xca: {  	[tilespmem:s14+$0xFFFFFFE0] =	vst v9  }
0xcb: {  	v9 =	vld [tilespmem:s30+$0xFFFFFFF0]  }
0xcc: {  	v10 =	vld [tilespmem:s29+$0xFFFFFFF0]  }
0xcd: {  	v11 =	vld [tilespmem:s0+$0xFFFFFFF0];
	_ =	sdelay $0x2  }
0xce: {  	v9 =	vmul.f32 v9, v6  }
0xcf: {  	v10 =	vmul.f32 v10, v7;
	_ =	sdelay $0x1  }
0xd0: {  	v9 =	vadd.f32 v10, v9;
	v10 =	vmul.f32 v11, v8;
	_ =	sdelay $0x1  }
0xd1: {  	v9 =	vadd.f32 v10, v9;
	_ =	sdelay $0x1  }
0xd2: {  	[tilespmem:s14+$0xFFFFFFF0] =	vst v9  }
0xd3: {  	v9 =	vld [tilespmem:s30+$0x0]  }
0xd4: {  	v10 =	vld [tilespmem:s29+$0x0]  }
0xd5: {  	v11 =	vld [tilespmem:s0+$0x0];
	_ =	sdelay $0x2  }
0xd6: {  	v9 =	vmul.f32 v9, v6  }
0xd7: {  	v10 =	vmul.f32 v10, v7;
	_ =	sdelay $0x1  }
0xd8: {  	v9 =	vadd.f32 v10, v9;
	v10 =	vmul.f32 v11, v8;
	_ =	sdelay $0x1  }
0xd9: {  	v9 =	vadd.f32 v10, v9;
	_ =	sdelay $0x1  }
0xda: {  	[tilespmem:s14+$0x0] =	vst v9  }
0xdb: {  	v9 =	vld [tilespmem:s30+$0x10]  }
0xdc: {  	v10 =	vld [tilespmem:s29+$0x10]  }
0xdd: {  	v11 =	vld [tilespmem:s0+$0x10];
	_ =	sdelay $0x3  }
0xde: {  	v9 =	vmul.f32 v9, v6;
	v10 =	vmul.f32 v10, v7;
	_ =	sdelay $0x1  }
0xdf: {  	v9 =	vadd.f32 v10, v9;
	v10 =	vmul.f32 v11, v8;
	_ =	sdelay $0x1  }
0xe0: {  	v9 =	vadd.f32 v10, v9;
	_ =	sdelay $0x1  }
0xe1: {  	[tilespmem:s14+$0x10] =	vst v9  }
0xe2: {  	v9 =	vld [tilespmem:s30+$0x20]  }
0xe3: {  	v10 =	vld [tilespmem:s29+$0x20]  }
0xe4: {  	v11 =	vld [tilespmem:s0+$0x20];
	_ =	sdelay $0x3  }
0xe5: {  	v9 =	vmul.f32 v9, v6;
	v10 =	vmul.f32 v10, v7;
	_ =	sdelay $0x1  }
0xe6: {  	v9 =	vadd.f32 v10, v9;
	v10 =	vmul.f32 v11, v8;
	_ =	sdelay $0x1  }
0xe7: {  	v9 =	vadd.f32 v10, v9;
	_ =	sdelay $0x1  }
.Ltmp0:
0xe8: {  	[tilespmem:s14+$0x20] =	vst v9;
	(pc) =	sbr.rel @p0 .LBB2_4-.Ltmp0, $4  }
0xe9: {  	v9 =	vld [tilespmem:s30+$0x30]  }
0xea: {  	v10 =	vld [tilespmem:s29+$0x30]  }
0xeb: {  	v11 =	vld [tilespmem:s0+$0x30]  }
0xec: {  	s14 =	sadd.s32 $0x400, s14;
	s0 =	sadd.s32 $0x400, s0  }
0xed: {  	_ =	sdelay $0x1  }
0xee: {  	s28 =	sadd.s32 $0x1, s28;
	v6 =	vmul.f32 v9, v6;
	v7 =	vmul.f32 v10, v7  }
0xef: {  	p0 =	sne.s32 s28, $0x10  }
.Ltmp1:
0xf0: {  	v8 =	vmul.f32 v11, v8;
	v6 =	vadd.f32 v7, v6;
	(pc) =	sbr.rel @p0 .LBB2_3-.Ltmp1, $4  }
0xf1: {  	_ = 	snop  }
0xf2: {  	s26 =	sadd.s32 $0xC00, s26;
	s25 =	sadd.s32 $0x3, s25;
	v6 =	vadd.f32 v8, v6  }
0xf3: {  	s21 =	sadd.s32 $0xC00, s21;
	s20 =	sadd.s32 $0x3, s20;
	s22 =	sadd.s32 $0xC00, s22  }
0xf4: {  	s23 =	sadd.s32 $0x3, s23;
	s24 =	sadd.s32 $0x400, s24;
	s19 =	sadd.s32 $0x1, s19;
	[tilespmem:s31+$0x30] =	vst v6  }
0xf5: {  	s0 =	sshll.u32 s18, $0xB;
	s18 =	sadd.s32 $0x1, s18  }
0xf6: {  	p0 =	sne.s32 s18, $0x20  }
.Ltmp2:
0xf7: {  	s0 =	sadd.s32 s0, s11;
	(pc) =	sbr.rel @p0 .LBB2_2-.Ltmp2, $4  }
0xf8: {  	[hbm4b:s0+s3] =	stream.linear.scatter [tilespmem:s17], [sflag:$0x2], $0x4000, $0x38;
	[tilespmem:$0x10C00] =	vst v63  }
0xf9: {  	_ =	swait.ge [sflag:s13], $0x4000  }
0xfa: {  	[sflag:s13] =	ssyncset.done $0x0  }
0xfb: {  	[sflag:s13] =	ssyncadd.s32 $0xFFFFC000  }
0xfc: {  	s1 =	rddreg [dreg:$0x8]  }
0xfd: {  	s0 =	rddreg [dreg:$0x7];
	s1 =	sadd.s32 $0x1, s1  }
0xfe: {  	p0 =	sne.s32 s1, s0  }
.Ltmp3:
0xff: {  	_ = 	snop;
	(pc) =	sbr.rel @p0 .LBB2_1-.Ltmp3, $1  }
0x100: {  	_ =	sdelay $0x3  }
0x101: {  	_ =	sfence.sel $0x180000  }
0x102: {  	[bflag:$0x0] =	sbarrier.arrive $0xFFFF  }
0x103: {  	_ =	strace $0x90000047  }
0x104: {  	s0 =	stileid.u32;
	[bflag:$0x2] =	sbarrier.arrive $0xFFFF  }
0x105: {  	p0 =	sne.s32 s0, $0x0;
	s0 =	rddreg [dreg:$0x2]  }
0x106: {  	s0 =	sadd.s32 @!p0 $0x100000, s0  }
0x107: {  	[sflag:s0] =	ssyncadd.tile.s32 @!p0 $0x1;
	_ =	shalt  }
.Lfunc_end2:
_tile_overlayer_lowered:
.L_overlay_start_2:
0x108: {  	(tag) =	ssettag $0x2  }
0x109: {  	s0 =	rddreg [dreg:$0x0];
	s2 =	stileid.u32  }
0x10a: {  	s1 =	rddreg [dreg:$0x1];
	p0 =	sne.s32 s2, $0x0  }
0x10b: {  	s3 =	rddreg [dreg:$0x2];
	[bflag:$0x3] =	sbarrier.arrive $0xFFFF;
	s2 =	simm.s32 @!p0 $0x1C02  }
0x10c: {  	[timem:s3], [sflag:s2] =	dma.local @!p0 [hbm:s0], s1  }
0x10d: {  	s0 =	simm.s32 @!p0 $0x2  }
0x10e: {  	_ =	swait.ge @!p0 [sflag:s0], s1  }
0x10f: {  	s1 =	ssub.s32 @!p0 $0x0, s1;
	[sflag:s0] =	ssyncset.done @!p0 $0x0  }
0x110: {  	[sflag:s0] =	ssyncadd.s32 @!p0 s1  }
0x111: {  	[bflag:$0x3] =	sbarrier.arrive $0xFFFF  }
0x112: {  	_ =	shalt  }

</sc_bundles>
